<compile_context>
chip_gen: v7x
topology: tpu7x:2x2x1
jax: 0.10.2.dev20260603
libtpu: 0.0.44.dev20260713+nightly
codegen_flags: <defaults>
</compile_context>

<pallas_src>
import functools

import jax
import jax.numpy as jnp
from jax import lax
from jax.experimental import pallas as pl
from jax.experimental.pallas import tpu as pltpu
from jax.experimental.pallas import tpu_sc as plsc

N = 10000
D = 128
E = 320000

NC = 2
NS = 16
NW = NC * NS

NPAD = 10240
RPT = NPAD // NS
CHT = 79
EPT = CHT * 128
E_PAD = EPT * NW

BR = 512
GRID = NPAD // BR

_MESH = plsc.VectorSubcoreMesh(
    core_axis_name="c", subcore_axis_name="s", num_cores=NC, num_subcores=NS)



@functools.partial(
    pl.kernel,
    out_type=jax.ShapeDtypeStruct((NW, NPAD), jnp.float32),
    mesh=_MESH,
    compiler_params=pltpu.CompilerParams(needs_layout_passes=False),
    scratch_types=[
        pltpu.VMEM((EPT,), jnp.int32),
        pltpu.VMEM((NPAD,), jnp.float32),
    ],
)
def _deg_kernel(dst_hbm, out_hbm, dst_v, acc_v):
    c = lax.axis_index("c")
    s = lax.axis_index("s")
    w = s * NC + c
    pltpu.sync_copy(dst_hbm.at[pl.ds(w * EPT, EPT)], dst_v)
    zeros = jnp.zeros((16,), jnp.float32)

    def zbody(i, carry):
        acc_v[pl.ds(i * 16, 16)] = zeros
        return carry

    lax.fori_loop(0, NPAD // 16, zbody, 0)
    ones = jnp.ones((16,), jnp.float32)

    def body(i, carry):
        idx = dst_v[pl.ds(i * 16, 16)]
        plsc.addupdate_scatter(acc_v, [idx], ones)
        return carry

    lax.fori_loop(0, EPT // 16, body, 0)
    pltpu.sync_copy(acc_v, out_hbm.at[w])


@functools.partial(
    pl.kernel,
    out_type=jax.ShapeDtypeStruct((NC, NPAD, D), jnp.float32),
    mesh=_MESH,
    scratch_types=[
        pltpu.VMEM((CHT, 128), jnp.int32),
        pltpu.VMEM((CHT, 128), jnp.int32),
        pltpu.VMEM((128, D), jnp.float32),
        pltpu.VMEM_SHARED((NPAD, D), jnp.float32),
        pltpu.SemaphoreType.DMA,
    ],
)
def _scatter_kernel(y_hbm, src_hbm, dst_hbm, zero_hbm, out_hbm,
                    src_v, dst_v, rows_v, acc_sh, sem):
    c = lax.axis_index("c")
    s = lax.axis_index("s")
    w = s * NC + c
    @pl.when(c == 0)
    def _():
        pltpu.sync_copy(y_hbm.at[pl.ds(s * RPT, RPT)],
                        acc_sh.at[pl.ds(s * RPT, RPT)])

    @pl.when(c != 0)
    def _():
        pltpu.sync_copy(zero_hbm.at[pl.ds(s * RPT, RPT)],
                        acc_sh.at[pl.ds(s * RPT, RPT)])

    pltpu.sync_copy(src_hbm.at[w], src_v)
    pltpu.sync_copy(dst_hbm.at[w], dst_v)
    plsc.subcore_barrier()

    def body(j, carry):
        pltpu.async_copy(y_hbm.at[src_v.at[j]], rows_v, sem).wait()
        pltpu.sync_copy(rows_v, acc_sh.at[dst_v.at[j]], add=True)
        return carry

    lax.fori_loop(0, CHT, body, 0)
    plsc.subcore_barrier()
    pltpu.sync_copy(acc_sh.at[pl.ds(s * RPT, RPT)],
                    out_hbm.at[c, pl.ds(s * RPT, RPT)])



def _tcA_body(x_ref, w_ref, degp_ref, y_ref, dinv_ref):
    deg = jnp.sum(degp_ref[...], axis=0) + 1.0
    dinv = lax.rsqrt(deg).reshape(BR, 1)
    xw = jnp.dot(x_ref[...], w_ref[...], preferred_element_type=jnp.float32)
    y_ref[...] = xw * dinv
    dinv_ref[...] = dinv


def _tcB_body(p_ref, dinv_ref, b1_ref, g_ref, be_ref, w2_ref, y2_ref):
    dinv = dinv_ref[...]
    h = (p_ref[0] + p_ref[1]) * dinv + b1_ref[...]
    h = h * (g_ref[...] * (1.0 / jnp.sqrt(1.0 + 1e-5))) + be_ref[...]
    h = jnp.maximum(h, 0.0)
    y2_ref[...] = jnp.dot(
        h, w2_ref[...], preferred_element_type=jnp.float32) * dinv


def _tcC_body(p_ref, dinv_ref, b2_ref, o_ref):
    o = (p_ref[0] + p_ref[1]) * dinv_ref[...] + b2_ref[...]
    m = jnp.max(o, axis=1, keepdims=True)
    e = jnp.exp(o - m)
    o_ref[...] = o - m - jnp.log(jnp.sum(e, axis=1, keepdims=True))


_row_spec = pl.BlockSpec((BR, D), lambda i: (i, 0))
_vec_spec = pl.BlockSpec((1, D), lambda i: (0, 0))
_w_spec = pl.BlockSpec((D, D), lambda i: (0, 0))
_dinv_spec = pl.BlockSpec((BR, 1), lambda i: (i, 0))
_p_spec = pl.BlockSpec((NC, BR, D), lambda i: (0, i, 0))

_tcA = pl.pallas_call(
    _tcA_body,
    grid=(GRID,),
    in_specs=[_row_spec, _w_spec, pl.BlockSpec((NW, BR), lambda i: (0, i))],
    out_specs=[_row_spec, _dinv_spec],
    out_shape=[jax.ShapeDtypeStruct((NPAD, D), jnp.float32),
               jax.ShapeDtypeStruct((NPAD, 1), jnp.float32)],
)

_tcB = pl.pallas_call(
    _tcB_body,
    grid=(GRID,),
    in_specs=[_p_spec, _dinv_spec, _vec_spec, _vec_spec, _vec_spec,
              _w_spec],
    out_specs=_row_spec,
    out_shape=jax.ShapeDtypeStruct((NPAD, D), jnp.float32),
)

_tcC = pl.pallas_call(
    _tcC_body,
    grid=(GRID,),
    in_specs=[_p_spec, _dinv_spec, _vec_spec],
    out_specs=_row_spec,
    out_shape=jax.ShapeDtypeStruct((NPAD, D), jnp.float32),
)


def kernel(x, edge_index, W1, b1, gamma, beta, W2, b2):
    src = edge_index[0]
    dst = edge_index[1]
    pad_e = E_PAD - E
    src_p = jnp.concatenate([src, jnp.zeros((pad_e,), jnp.int32)])
    dst_p = jnp.concatenate([dst, jnp.full((pad_e,), N, jnp.int32)])
    src3d = src_p.reshape(NW, CHT, 128)
    dst3d = dst_p.reshape(NW, CHT, 128)
    x_pad = jnp.pad(x, ((0, NPAD - N), (0, 0)))
    zero = jnp.zeros((NPAD, D), jnp.float32)

    degp = _deg_kernel(dst_p)
    y1, dinv = _tcA(x_pad, W1, degp)
    p1 = _scatter_kernel(y1, src3d, dst3d, zero)
    y2 = _tcB(p1, dinv, b1.reshape(1, D), gamma.reshape(1, D),
              beta.reshape(1, D), W2)
    p2 = _scatter_kernel(y2, src3d, dst3d, zero)
    out = _tcC(p2, dinv, b2.reshape(1, D))
    return out[:N]

# --- scband reference (transcript-rebuilt; emitter-appended) ---
"""Pipeline reference for scband-gcnvariant-31610959298973 (READ-ONLY COPY).

The authoritative reference and input builder live on the scoring server;
editing this copy changes nothing except your own understanding.
"""

import jax, jax.numpy as jnp
import numpy as np

N = 10000
E = 320000
D = 128


def gcn_conv(x, edge_index, W, b, num_nodes):
    # PyG GCNConv: add self-loops, symmetric normalization D^-1/2 (A+I) D^-1/2 X W + b
    src = edge_index[0]
    dst = edge_index[1]
    loop = jnp.arange(num_nodes, dtype=src.dtype)
    src = jnp.concatenate([src, loop])
    dst = jnp.concatenate([dst, loop])
    ones = jnp.ones(src.shape[0], dtype=x.dtype)
    deg = jax.ops.segment_sum(ones, dst, num_segments=num_nodes)
    dinv = jnp.where(deg > 0, jax.lax.rsqrt(deg), 0.0)
    norm = dinv[src] * dinv[dst]
    xw = x @ W
    msg = xw[src] * norm[:, None]
    out = jax.ops.segment_sum(msg, dst, num_segments=num_nodes)
    return out + b


def batchnorm_eval(h, gamma, beta, eps=1e-5):
    # eval mode with default running stats (mean=0, var=1)
    running_mean = jnp.zeros((h.shape[1],), dtype=h.dtype)
    running_var = jnp.ones((h.shape[1],), dtype=h.dtype)
    return (h - running_mean) / jnp.sqrt(running_var + eps) * gamma + beta


def setup_inputs(seed: int = 0) -> dict:
    key = jax.random.key(seed)
    ks = jax.random.split(key, 8)
    x = jax.random.normal(ks[0], (N, D), dtype=jnp.float32)
    edge_index = jax.random.randint(ks[1], (2, E), 0, N, dtype=jnp.int32)
    scale = 1.0 / np.sqrt(D)
    W1 = jax.random.normal(ks[2], (D, D), dtype=jnp.float32) * scale
    b1 = jnp.zeros((D,), dtype=jnp.float32)
    gamma = jnp.ones((D,), dtype=jnp.float32)
    beta = jnp.zeros((D,), dtype=jnp.float32)
    W2 = jax.random.normal(ks[3], (D, D), dtype=jnp.float32) * scale
    b2 = jnp.zeros((D,), dtype=jnp.float32)
    return {"x": x, "edge_index": edge_index, "W1": W1, "b1": b1,
            "gamma": gamma, "beta": beta, "W2": W2, "b2": b2}


def reference(x, edge_index, W1, b1, gamma, beta, W2, b2):
    # layer 0: conv -> BN(eval) -> relu -> dropout(eval = identity)
    h = gcn_conv(x, edge_index, W1, b1, N)
    h = batchnorm_eval(h, gamma, beta)
    h = jax.nn.relu(h)
    # dropout is identity in eval mode
    # final conv
    h = gcn_conv(h, edge_index, W2, b2, N)
    return jax.nn.log_softmax(h, axis=1)

if __name__ == "__main__":
    import jax
    _d = setup_inputs()
    print(jax.jit(kernel)(*tuple(_d.values())))

</pallas_src>

<mosaic_0001>
#map = affine_map<(d0, d1) -> (0)>
#map1 = affine_map<(d0, d1) -> (0, 0)>
module attributes {stable_mosaic.version = 14 : i64} {
  func.func @_deg_kernel(%arg0: i32, %arg1: i32, %arg2: memref<323584xi32, #tpu.memory_space<hbm>>, %arg3: memref<32x10240xf32, #tpu.memory_space<hbm>>, %arg4: memref<10112xi32, #tpu.memory_space<vmem>>, %arg5: memref<10240xf32, #tpu.memory_space<vmem>>) attributes {dimension_semantics = [#tpu.dimension_semantics<core_parallel>, #tpu.dimension_semantics<subcore_parallel>], iteration_bounds = array<i64: 2, 16>, scalar_prefetch = 0 : i64, scratch_operands = 2 : i64, tpu.core_type = #tpu.core_type<sc_vector_subcore>, window_params = [{transform_indices = #map}, {transform_indices = #map1}]} {
    %mul3A = arith.constant 2 : i32
    %mul3A_0 = arith.muli %arg1, %mul3A : i32
    %add3A = arith.addi %mul3A_0, %arg0 : i32
    %mul3A_1 = arith.constant 10112 : i32
    %mul3A_2 = arith.muli %add3A, %mul3A_1 : i32
    "tpu.region"() ({
      %run_scoped3A = tpu.sem_alloc : memref<!tpu.dma_semaphore, #tpu.memory_space<semaphore_mem>>
      %dma_start3A = tpu.memref_slice %arg2[%mul3A_2] : memref<323584xi32, #tpu.memory_space<hbm>> -> memref<10112xi32, #tpu.memory_space<hbm>>
      %dma_start3A_17 = tpu.memref_slice %arg2[%mul3A_2] : memref<323584xi32, #tpu.memory_space<hbm>> -> memref<10112xi32, #tpu.memory_space<hbm>>
      tpu.enqueue_dma source(%dma_start3A_17 : memref<10112xi32, #tpu.memory_space<hbm>>) target(%arg4 : memref<10112xi32, #tpu.memory_space<vmem>>) target_semaphore(%run_scoped3A : memref<!tpu.dma_semaphore, #tpu.memory_space<semaphore_mem>>)
      %dma_wait3A = tpu.memref_slice %arg2[%mul3A_2] : memref<323584xi32, #tpu.memory_space<hbm>> -> memref<10112xi32, #tpu.memory_space<hbm>>
      %dma_wait3A_18 = tpu.memref_slice %arg2[%mul3A_2] : memref<323584xi32, #tpu.memory_space<hbm>> -> memref<10112xi32, #tpu.memory_space<hbm>>
      tpu.wait_dma2 semaphore(%run_scoped3A : memref<!tpu.dma_semaphore, #tpu.memory_space<semaphore_mem>>) src(%dma_wait3A_18 : memref<10112xi32, #tpu.memory_space<hbm>>) dst(%arg4 : memref<10112xi32, #tpu.memory_space<vmem>>)
      tpu.yield
    }) : () -> ()
    %broadcast_in_dim3A = arith.constant 0.000000e+00 : f32
    %broadcast_in_dim3A_3 = vector.broadcast %broadcast_in_dim3A : f32 to vector<16xf32>
    %scan3A = arith.constant 0 : i32
    %scan3A_4 = arith.constant 0 : i32
    %scan3A_5 = arith.constant 640 : i32
    %scan3A_6 = arith.addi %scan3A_4, %scan3A_5 : i32
    %scan3A_7 = arith.constant 1 : i32
    scf.for %scan3A_17 = %scan3A_4 to %scan3A_6 step %scan3A_7  : i32 {
      %mul3A_18 = arith.constant 16 : i32
      %mul3A_19 = arith.muli %scan3A_17, %mul3A_18 : i32
      %swap3A = arith.index_cast %mul3A_19 : i32 to index
      %swap3A_20 = tpu.vector_load %arg5[%swap3A] {strides = array<i32>} : memref<10240xf32, #tpu.memory_space<vmem>>, vector<16xf32>,
      tpu.vector_store %arg5[%swap3A], %broadcast_in_dim3A_3 {strides = array<i32>} : memref<10240xf32, #tpu.memory_space<vmem>>, vector<16xf32>,
    }
    %scan3A_8 = arith.constant 640 : i32
    %broadcast_in_dim3A_9 = arith.constant 1.000000e+00 : f32
    %broadcast_in_dim3A_10 = vector.broadcast %broadcast_in_dim3A_9 : f32 to vector<16xf32>
    %scan3A_11 = arith.constant 0 : i32
    %scan3A_12 = arith.constant 0 : i32
    %scan3A_13 = arith.constant 632 : i32
    %scan3A_14 = arith.addi %scan3A_12, %scan3A_13 : i32
    %scan3A_15 = arith.constant 1 : i32
    scf.for %scan3A_17 = %scan3A_12 to %scan3A_14 step %scan3A_15  : i32 {
      %mul3A_18 = arith.constant 16 : i32
      %mul3A_19 = arith.muli %scan3A_17, %mul3A_18 : i32
      %get3A = arith.index_cast %mul3A_19 : i32 to index
      %get3A_20 = tpu.vector_load %arg4[%get3A] {strides = array<i32>} : memref<10112xi32, #tpu.memory_space<vmem>>, vector<16xi32>,
      tpu.vector_store_idx %arg5[%get3A_20], %broadcast_in_dim3A_10 {add = true} : memref<10240xf32, #tpu.memory_space<vmem>>[vector<16xi32>], vector<16xf32>,
    }
    %scan3A_16 = arith.constant 632 : i32
    "tpu.region"() ({
      %run_scoped3A = tpu.sem_alloc : memref<!tpu.dma_semaphore, #tpu.memory_space<semaphore_mem>>
      %dma_start3A = arith.constant 0 : i32
      %dma_start3A_17 = tpu.memref_slice %arg3[%add3A, %dma_start3A] : memref<32x10240xf32, #tpu.memory_space<hbm>> -> memref<1x10240xf32, #tpu.memory_space<hbm>>
      %dma_start3A_18 = tpu.memref_squeeze %dma_start3A_17 : memref<1x10240xf32, #tpu.memory_space<hbm>> -> memref<10240xf32, #tpu.memory_space<hbm>>
      %dma_start3A_19 = arith.constant 0 : i32
      %dma_start3A_20 = tpu.memref_slice %arg3[%add3A, %dma_start3A_19] : memref<32x10240xf32, #tpu.memory_space<hbm>> -> memref<1x10240xf32, #tpu.memory_space<hbm>>
      %dma_start3A_21 = tpu.memref_squeeze %dma_start3A_20 : memref<1x10240xf32, #tpu.memory_space<hbm>> -> memref<10240xf32, #tpu.memory_space<hbm>>
      tpu.enqueue_dma source(%arg5 : memref<10240xf32, #tpu.memory_space<vmem>>) target(%dma_start3A_21 : memref<10240xf32, #tpu.memory_space<hbm>>) target_semaphore(%run_scoped3A : memref<!tpu.dma_semaphore, #tpu.memory_space<semaphore_mem>>)
      %dma_wait3A = arith.constant 0 : i32
      %dma_wait3A_22 = tpu.memref_slice %arg3[%add3A, %dma_wait3A] : memref<32x10240xf32, #tpu.memory_space<hbm>> -> memref<1x10240xf32, #tpu.memory_space<hbm>>
      %dma_wait3A_23 = tpu.memref_squeeze %dma_wait3A_22 : memref<1x10240xf32, #tpu.memory_space<hbm>> -> memref<10240xf32, #tpu.memory_space<hbm>>
      %dma_wait3A_24 = arith.constant 0 : i32
      %dma_wait3A_25 = tpu.memref_slice %arg3[%add3A, %dma_wait3A_24] : memref<32x10240xf32, #tpu.memory_space<hbm>> -> memref<1x10240xf32, #tpu.memory_space<hbm>>
      %dma_wait3A_26 = tpu.memref_squeeze %dma_wait3A_25 : memref<1x10240xf32, #tpu.memory_space<hbm>> -> memref<10240xf32, #tpu.memory_space<hbm>>
      tpu.wait_dma2 semaphore(%run_scoped3A : memref<!tpu.dma_semaphore, #tpu.memory_space<semaphore_mem>>) src(%arg5 : memref<10240xf32, #tpu.memory_space<vmem>>) dst(%dma_wait3A_26 : memref<10240xf32, #tpu.memory_space<hbm>>)
      tpu.yield
    }) : () -> ()
    return
  }
}

#map = affine_map<(d0, d1) -> (0, 0)>
#map1 = affine_map<(d0, d1) -> (0, 0, 0)>
module attributes {stable_mosaic.version = 14 : i64} {
  func.func @_scatter_kernel(%arg0: i32, %arg1: i32, %arg2: memref<10240x128xf32, #tpu.memory_space<hbm>>, %arg3: memref<32x79x128xi32, #tpu.memory_space<hbm>>, %arg4: memref<32x79x128xi32, #tpu.memory_space<hbm>>, %arg5: memref<10240x128xf32, #tpu.memory_space<hbm>>, %arg6: memref<2x10240x128xf32, #tpu.memory_space<hbm>>, %arg7: memref<79x128xi32, #tpu.memory_space<vmem>>, %arg8: memref<79x128xi32, #tpu.memory_space<vmem>>, %arg9: memref<128x128xf32, #tpu.memory_space<vmem>>, %arg10: memref<10240x128xf32, #tpu.memory_space<vmem_shared>>, %arg11: memref<!tpu.dma_semaphore, #tpu.memory_space<semaphore_mem>>) attributes {dimension_semantics = [#tpu.dimension_semantics<core_parallel>, #tpu.dimension_semantics<subcore_parallel>], iteration_bounds = array<i64: 2, 16>, scalar_prefetch = 0 : i64, scratch_operands = 5 : i64, tpu.core_type = #tpu.core_type<sc_vector_subcore>, window_params = [{transform_indices = #map}, {transform_indices = #map1}, {transform_indices = #map1}, {transform_indices = #map}, {transform_indices = #map1}]} {
    %mul3A = arith.constant 2 : i32
    %mul3A_0 = arith.muli %arg1, %mul3A : i32
    %add3A = arith.addi %mul3A_0, %arg0 : i32
    %eq3A = arith.constant 0 : i32
    %eq3A_1 = arith.cmpi eq, %arg0, %eq3A : i32
    %convert_element_type3A = arith.extui %eq3A_1 : i1 to i32
    %cond3A = arith.constant 0 : i32
    %cond3A_2 = arith.cmpi ne, %convert_element_type3A, %cond3A : i32
    scf.if %cond3A_2 {
      %mul3A_17 = arith.constant 640 : i32
      %mul3A_18 = arith.muli %arg1, %mul3A_17 : i32
      %mul3A_19 = arith.constant 640 : i32
      %mul3A_20 = arith.muli %arg1, %mul3A_19 : i32
      "tpu.region"() ({
        %run_scoped3A = tpu.sem_alloc : memref<!tpu.dma_semaphore, #tpu.memory_space<semaphore_mem>>
        %dma_start3A = arith.constant 0 : i32
        %dma_start3A_21 = tpu.memref_slice %arg10[%mul3A_20, %dma_start3A] : memref<10240x128xf32, #tpu.memory_space<vmem_shared>> -> memref<640x128xf32, #tpu.memory_space<vmem_shared>>
        %dma_start3A_22 = arith.constant 0 : i32
        %dma_start3A_23 = tpu.memref_slice %arg2[%mul3A_18, %dma_start3A_22] : memref<10240x128xf32, #tpu.memory_space<hbm>> -> memref<640x128xf32, #tpu.memory_space<hbm>>
        tpu.enqueue_dma source(%dma_start3A_23 : memref<640x128xf32, #tpu.memory_space<hbm>>) target(%dma_start3A_21 : memref<640x128xf32, #tpu.memory_space<vmem_shared>>) target_semaphore(%run_scoped3A : memref<!tpu.dma_semaphore, #tpu.memory_space<semaphore_mem>>)
        %dma_wait3A = arith.constant 0 : i32
        %dma_wait3A_24 = tpu.memref_slice %arg10[%mul3A_20, %dma_wait3A] : memref<10240x128xf32, #tpu.memory_space<vmem_shared>> -> memref<640x128xf32, #tpu.memory_space<vmem_shared>>
        %dma_wait3A_25 = arith.constant 0 : i32
        %dma_wait3A_26 = tpu.memref_slice %arg2[%mul3A_18, %dma_wait3A_25] : memref<10240x128xf32, #tpu.memory_space<hbm>> -> memref<640x128xf32, #tpu.memory_space<hbm>>
        tpu.wait_dma2 semaphore(%run_scoped3A : memref<!tpu.dma_semaphore, #tpu.memory_space<semaphore_mem>>) src(%dma_wait3A_26 : memref<640x128xf32, #tpu.memory_space<hbm>>) dst(%dma_wait3A_24 : memref<640x128xf32, #tpu.memory_space<vmem_shared>>)
        tpu.yield
      }) : () -> ()
    } else {
    }
    %ne3A = arith.constant 0 : i32
    %ne3A_3 = arith.cmpi ne, %arg0, %ne3A : i32
    %convert_element_type3A_4 = arith.extui %ne3A_3 : i1 to i32
    %cond3A_5 = arith.constant 0 : i32
    %cond3A_6 = arith.cmpi ne, %convert_element_type3A_4, %cond3A_5 : i32
    scf.if %cond3A_6 {
      %mul3A_17 = arith.constant 640 : i32
      %mul3A_18 = arith.muli %arg1, %mul3A_17 : i32
      %mul3A_19 = arith.constant 640 : i32
      %mul3A_20 = arith.muli %arg1, %mul3A_19 : i32
      "tpu.region"() ({
        %run_scoped3A = tpu.sem_alloc : memref<!tpu.dma_semaphore, #tpu.memory_space<semaphore_mem>>
        %dma_start3A = arith.constant 0 : i32
        %dma_start3A_21 = tpu.memref_slice %arg10[%mul3A_20, %dma_start3A] : memref<10240x128xf32, #tpu.memory_space<vmem_shared>> -> memref<640x128xf32, #tpu.memory_space<vmem_shared>>
        %dma_start3A_22 = arith.constant 0 : i32
        %dma_start3A_23 = tpu.memref_slice %arg5[%mul3A_18, %dma_start3A_22] : memref<10240x128xf32, #tpu.memory_space<hbm>> -> memref<640x128xf32, #tpu.memory_space<hbm>>
        tpu.enqueue_dma source(%dma_start3A_23 : memref<640x128xf32, #tpu.memory_space<hbm>>) target(%dma_start3A_21 : memref<640x128xf32, #tpu.memory_space<vmem_shared>>) target_semaphore(%run_scoped3A : memref<!tpu.dma_semaphore, #tpu.memory_space<semaphore_mem>>)
        %dma_wait3A = arith.constant 0 : i32
        %dma_wait3A_24 = tpu.memref_slice %arg10[%mul3A_20, %dma_wait3A] : memref<10240x128xf32, #tpu.memory_space<vmem_shared>> -> memref<640x128xf32, #tpu.memory_space<vmem_shared>>
        %dma_wait3A_25 = arith.constant 0 : i32
        %dma_wait3A_26 = tpu.memref_slice %arg5[%mul3A_18, %dma_wait3A_25] : memref<10240x128xf32, #tpu.memory_space<hbm>> -> memref<640x128xf32, #tpu.memory_space<hbm>>
        tpu.wait_dma2 semaphore(%run_scoped3A : memref<!tpu.dma_semaphore, #tpu.memory_space<semaphore_mem>>) src(%dma_wait3A_26 : memref<640x128xf32, #tpu.memory_space<hbm>>) dst(%dma_wait3A_24 : memref<640x128xf32, #tpu.memory_space<vmem_shared>>)
        tpu.yield
      }) : () -> ()
    } else {
    }
    "tpu.region"() ({
      %run_scoped3A = tpu.sem_alloc : memref<!tpu.dma_semaphore, #tpu.memory_space<semaphore_mem>>
      %dma_start3A = arith.constant 0 : i32
      %dma_start3A_17 = arith.constant 0 : i32
      %dma_start3A_18 = tpu.memref_slice %arg3[%add3A, %dma_start3A, %dma_start3A_17] : memref<32x79x128xi32, #tpu.memory_space<hbm>> -> memref<1x79x128xi32, #tpu.memory_space<hbm>>
      %dma_start3A_19 = tpu.memref_squeeze %dma_start3A_18 : memref<1x79x128xi32, #tpu.memory_space<hbm>> -> memref<79x128xi32, #tpu.memory_space<hbm>>
      %dma_start3A_20 = arith.constant 0 : i32
      %dma_start3A_21 = arith.constant 0 : i32
      %dma_start3A_22 = tpu.memref_slice %arg3[%add3A, %dma_start3A_20, %dma_start3A_21] : memref<32x79x128xi32, #tpu.memory_space<hbm>> -> memref<1x79x128xi32, #tpu.memory_space<hbm>>
      %dma_start3A_23 = tpu.memref_squeeze %dma_start3A_22 : memref<1x79x128xi32, #tpu.memory_space<hbm>> -> memref<79x128xi32, #tpu.memory_space<hbm>>
      tpu.enqueue_dma source(%dma_start3A_23 : memref<79x128xi32, #tpu.memory_space<hbm>>) target(%arg7 : memref<79x128xi32, #tpu.memory_space<vmem>>) target_semaphore(%run_scoped3A : memref<!tpu.dma_semaphore, #tpu.memory_space<semaphore_mem>>)
      %dma_wait3A = arith.constant 0 : i32
      %dma_wait3A_24 = arith.constant 0 : i32
      %dma_wait3A_25 = tpu.memref_slice %arg3[%add3A, %dma_wait3A, %dma_wait3A_24] : memref<32x79x128xi32, #tpu.memory_space<hbm>> -> memref<1x79x128xi32, #tpu.memory_space<hbm>>
      %dma_wait3A_26 = tpu.memref_squeeze %dma_wait3A_25 : memref<1x79x128xi32, #tpu.memory_space<hbm>> -> memref<79x128xi32, #tpu.memory_space<hbm>>
      %dma_wait3A_27 = arith.constant 0 : i32
      %dma_wait3A_28 = arith.constant 0 : i32
      %dma_wait3A_29 = tpu.memref_slice %arg3[%add3A, %dma_wait3A_27, %dma_wait3A_28] : memref<32x79x128xi32, #tpu.memory_space<hbm>> -> memref<1x79x128xi32, #tpu.memory_space<hbm>>
      %dma_wait3A_30 = tpu.memref_squeeze %dma_wait3A_29 : memref<1x79x128xi32, #tpu.memory_space<hbm>> -> memref<79x128xi32, #tpu.memory_space<hbm>>
      tpu.wait_dma2 semaphore(%run_scoped3A : memref<!tpu.dma_semaphore, #tpu.memory_space<semaphore_mem>>) src(%dma_wait3A_30 : memref<79x128xi32, #tpu.memory_space<hbm>>) dst(%arg7 : memref<79x128xi32, #tpu.memory_space<vmem>>)
      tpu.yield
    }) : () -> ()
    "tpu.region"() ({
      %run_scoped3A = tpu.sem_alloc : memref<!tpu.dma_semaphore, #tpu.memory_space<semaphore_mem>>
      %dma_start3A = arith.constant 0 : i32
      %dma_start3A_17 = arith.constant 0 : i32
      %dma_start3A_18 = tpu.memref_slice %arg4[%add3A, %dma_start3A, %dma_start3A_17] : memref<32x79x128xi32, #tpu.memory_space<hbm>> -> memref<1x79x128xi32, #tpu.memory_space<hbm>>
      %dma_start3A_19 = tpu.memref_squeeze %dma_start3A_18 : memref<1x79x128xi32, #tpu.memory_space<hbm>> -> memref<79x128xi32, #tpu.memory_space<hbm>>
      %dma_start3A_20 = arith.constant 0 : i32
      %dma_start3A_21 = arith.constant 0 : i32
      %dma_start3A_22 = tpu.memref_slice %arg4[%add3A, %dma_start3A_20, %dma_start3A_21] : memref<32x79x128xi32, #tpu.memory_space<hbm>> -> memref<1x79x128xi32, #tpu.memory_space<hbm>>
      %dma_start3A_23 = tpu.memref_squeeze %dma_start3A_22 : memref<1x79x128xi32, #tpu.memory_space<hbm>> -> memref<79x128xi32, #tpu.memory_space<hbm>>
      tpu.enqueue_dma source(%dma_start3A_23 : memref<79x128xi32, #tpu.memory_space<hbm>>) target(%arg8 : memref<79x128xi32, #tpu.memory_space<vmem>>) target_semaphore(%run_scoped3A : memref<!tpu.dma_semaphore, #tpu.memory_space<semaphore_mem>>)
      %dma_wait3A = arith.constant 0 : i32
      %dma_wait3A_24 = arith.constant 0 : i32
      %dma_wait3A_25 = tpu.memref_slice %arg4[%add3A, %dma_wait3A, %dma_wait3A_24] : memref<32x79x128xi32, #tpu.memory_space<hbm>> -> memref<1x79x128xi32, #tpu.memory_space<hbm>>
      %dma_wait3A_26 = tpu.memref_squeeze %dma_wait3A_25 : memref<1x79x128xi32, #tpu.memory_space<hbm>> -> memref<79x128xi32, #tpu.memory_space<hbm>>
      %dma_wait3A_27 = arith.constant 0 : i32
      %dma_wait3A_28 = arith.constant 0 : i32
      %dma_wait3A_29 = tpu.memref_slice %arg4[%add3A, %dma_wait3A_27, %dma_wait3A_28] : memref<32x79x128xi32, #tpu.memory_space<hbm>> -> memref<1x79x128xi32, #tpu.memory_space<hbm>>
      %dma_wait3A_30 = tpu.memref_squeeze %dma_wait3A_29 : memref<1x79x128xi32, #tpu.memory_space<hbm>> -> memref<79x128xi32, #tpu.memory_space<hbm>>
      tpu.wait_dma2 semaphore(%run_scoped3A : memref<!tpu.dma_semaphore, #tpu.memory_space<semaphore_mem>>) src(%dma_wait3A_30 : memref<79x128xi32, #tpu.memory_space<hbm>>) dst(%arg8 : memref<79x128xi32, #tpu.memory_space<vmem>>)
      tpu.yield
    }) : () -> ()
    %barrier3A = arith.constant 0 : index
    tpu.barrier barrier_id(%barrier3A)
    %scan3A = arith.constant 0 : i32
    %scan3A_7 = arith.constant 0 : i32
    %scan3A_8 = arith.constant 79 : i32
    %scan3A_9 = arith.addi %scan3A_7, %scan3A_8 : i32
    %scan3A_10 = arith.constant 1 : i32
    scf.for %scan3A_17 = %scan3A_7 to %scan3A_9 step %scan3A_10  : i32 {
      %dma_start3A = arith.constant 0 : i32
      %dma_start3A_18 = tpu.memref_slice %arg7[%scan3A_17, %dma_start3A] : memref<79x128xi32, #tpu.memory_space<vmem>> -> memref<1x128xi32, #tpu.memory_space<vmem>>
      %dma_start3A_19 = tpu.memref_squeeze %dma_start3A_18 : memref<1x128xi32, #tpu.memory_space<vmem>> -> memref<128xi32, #tpu.memory_space<vmem>>
      %dma_start3A_20 = arith.constant 0 : i32
      %dma_start3A_21 = arith.constant 0 : i32
      %dma_start3A_22 = tpu.memref_slice %arg2[%dma_start3A_20, %dma_start3A_21] : memref<10240x128xf32, #tpu.memory_space<hbm>> -> memref<10240x128xf32, #tpu.memory_space<hbm>>
      tpu.enqueue_indirect_dma source(%dma_start3A_22 : memref<10240x128xf32, #tpu.memory_space<hbm>>) target(%arg9 : memref<128x128xf32, #tpu.memory_space<vmem>>) offsets(%dma_start3A_19 : memref<128xi32, #tpu.memory_space<vmem>>) semaphore(%arg11 : memref<!tpu.dma_semaphore, #tpu.memory_space<semaphore_mem>>)
      %dma_wait3A = arith.constant 0 : i32
      %dma_wait3A_23 = tpu.memref_slice %arg7[%scan3A_17, %dma_wait3A] : memref<79x128xi32, #tpu.memory_space<vmem>> -> memref<1x128xi32, #tpu.memory_space<vmem>>
      %dma_wait3A_24 = tpu.memref_squeeze %dma_wait3A_23 : memref<1x128xi32, #tpu.memory_space<vmem>> -> memref<128xi32, #tpu.memory_space<vmem>>
      %dma_wait3A_25 = arith.constant 0 : i32
      %dma_wait3A_26 = arith.constant 0 : i32
      %dma_wait3A_27 = tpu.memref_slice %arg2[%dma_wait3A_25, %dma_wait3A_26] : memref<10240x128xf32, #tpu.memory_space<hbm>> -> memref<10240x128xf32, #tpu.memory_space<hbm>>
      tpu.wait_indirect_dma semaphore(%arg11 : memref<!tpu.dma_semaphore, #tpu.memory_space<semaphore_mem>>) src(%dma_wait3A_27 : memref<10240x128xf32, #tpu.memory_space<hbm>>) dst(%arg9 : memref<128x128xf32, #tpu.memory_space<vmem>>)
      "tpu.region"() ({
        %run_scoped3A = tpu.sem_alloc : memref<!tpu.dma_semaphore, #tpu.memory_space<semaphore_mem>>
        %dma_start3A_28 = arith.constant 0 : i32
        %dma_start3A_29 = tpu.memref_slice %arg8[%scan3A_17, %dma_start3A_28] : memref<79x128xi32, #tpu.memory_space<vmem>> -> memref<1x128xi32, #tpu.memory_space<vmem>>
        %dma_start3A_30 = tpu.memref_squeeze %dma_start3A_29 : memref<1x128xi32, #tpu.memory_space<vmem>> -> memref<128xi32, #tpu.memory_space<vmem>>
        %dma_start3A_31 = arith.constant 0 : i32
        %dma_start3A_32 = arith.constant 0 : i32
        %dma_start3A_33 = tpu.memref_slice %arg10[%dma_start3A_31, %dma_start3A_32] : memref<10240x128xf32, #tpu.memory_space<vmem_shared>> -> memref<10240x128xf32, #tpu.memory_space<vmem_shared>>
        tpu.enqueue_indirect_dma source(%arg9 : memref<128x128xf32, #tpu.memory_space<vmem>>) target(%dma_start3A_33 : memref<10240x128xf32, #tpu.memory_space<vmem_shared>>) offsets(%dma_start3A_30 : memref<128xi32, #tpu.memory_space<vmem>>) semaphore(%run_scoped3A : memref<!tpu.dma_semaphore, #tpu.memory_space<semaphore_mem>>) {add = true}
        %dma_wait3A_34 = arith.constant 0 : i32
        %dma_wait3A_35 = tpu.memref_slice %arg8[%scan3A_17, %dma_wait3A_34] : memref<79x128xi32, #tpu.memory_space<vmem>> -> memref<1x128xi32, #tpu.memory_space<vmem>>
        %dma_wait3A_36 = tpu.memref_squeeze %dma_wait3A_35 : memref<1x128xi32, #tpu.memory_space<vmem>> -> memref<128xi32, #tpu.memory_space<vmem>>
        %dma_wait3A_37 = arith.constant 0 : i32
        %dma_wait3A_38 = arith.constant 0 : i32
        %dma_wait3A_39 = tpu.memref_slice %arg10[%dma_wait3A_37, %dma_wait3A_38] : memref<10240x128xf32, #tpu.memory_space<vmem_shared>> -> memref<10240x128xf32, #tpu.memory_space<vmem_shared>>
        tpu.wait_indirect_dma semaphore(%run_scoped3A : memref<!tpu.dma_semaphore, #tpu.memory_space<semaphore_mem>>) src(%arg9 : memref<128x128xf32, #tpu.memory_space<vmem>>) dst(%dma_wait3A_39 : memref<10240x128xf32, #tpu.memory_space<vmem_shared>>)
        tpu.yield
      }) : () -> ()
    }
    %scan3A_11 = arith.constant 79 : i32
    %barrier3A_12 = arith.constant 0 : index
    tpu.barrier barrier_id(%barrier3A_12)
    %mul3A_13 = arith.constant 640 : i32
    %mul3A_14 = arith.muli %arg1, %mul3A_13 : i32
    %mul3A_15 = arith.constant 640 : i32
    %mul3A_16 = arith.muli %arg1, %mul3A_15 : i32
    "tpu.region"() ({
      %run_scoped3A = tpu.sem_alloc : memref<!tpu.dma_semaphore, #tpu.memory_space<semaphore_mem>>
      %dma_start3A = arith.constant 0 : i32
      %dma_start3A_17 = tpu.memref_slice %arg6[%arg0, %mul3A_16, %dma_start3A] : memref<2x10240x128xf32, #tpu.memory_space<hbm>> -> memref<1x640x128xf32, #tpu.memory_space<hbm>>
      %dma_start3A_18 = tpu.memref_squeeze %dma_start3A_17 : memref<1x640x128xf32, #tpu.memory_space<hbm>> -> memref<640x128xf32, #tpu.memory_space<hbm>>
      %dma_start3A_19 = arith.constant 0 : i32
      %dma_start3A_20 = tpu.memref_slice %arg10[%mul3A_14, %dma_start3A_19] : memref<10240x128xf32, #tpu.memory_space<vmem_shared>> -> memref<640x128xf32, #tpu.memory_space<vmem_shared>>
      tpu.enqueue_dma source(%dma_start3A_20 : memref<640x128xf32, #tpu.memory_space<vmem_shared>>) target(%dma_start3A_18 : memref<640x128xf32, #tpu.memory_space<hbm>>) target_semaphore(%run_scoped3A : memref<!tpu.dma_semaphore, #tpu.memory_space<semaphore_mem>>)
      %dma_wait3A = arith.constant 0 : i32
      %dma_wait3A_21 = tpu.memref_slice %arg6[%arg0, %mul3A_16, %dma_wait3A] : memref<2x10240x128xf32, #tpu.memory_space<hbm>> -> memref<1x640x128xf32, #tpu.memory_space<hbm>>
      %dma_wait3A_22 = tpu.memref_squeeze %dma_wait3A_21 : memref<1x640x128xf32, #tpu.memory_space<hbm>> -> memref<640x128xf32, #tpu.memory_space<hbm>>
      %dma_wait3A_23 = arith.constant 0 : i32
      %dma_wait3A_24 = tpu.memref_slice %arg10[%mul3A_14, %dma_wait3A_23] : memref<10240x128xf32, #tpu.memory_space<vmem_shared>> -> memref<640x128xf32, #tpu.memory_space<vmem_shared>>
      tpu.wait_dma2 semaphore(%run_scoped3A : memref<!tpu.dma_semaphore, #tpu.memory_space<semaphore_mem>>) src(%dma_wait3A_24 : memref<640x128xf32, #tpu.memory_space<vmem_shared>>) dst(%dma_wait3A_22 : memref<640x128xf32, #tpu.memory_space<hbm>>)
      tpu.yield
    }) : () -> ()
    return
  }
}

#map = affine_map<(d0, d1) -> (0, 0)>
#map1 = affine_map<(d0, d1) -> (0, 0, 0)>
module attributes {stable_mosaic.version = 14 : i64} {
  func.func @_scatter_kernel(%arg0: i32, %arg1: i32, %arg2: memref<10240x128xf32, #tpu.memory_space<hbm>>, %arg3: memref<32x79x128xi32, #tpu.memory_space<hbm>>, %arg4: memref<32x79x128xi32, #tpu.memory_space<hbm>>, %arg5: memref<10240x128xf32, #tpu.memory_space<hbm>>, %arg6: memref<2x10240x128xf32, #tpu.memory_space<hbm>>, %arg7: memref<79x128xi32, #tpu.memory_space<vmem>>, %arg8: memref<79x128xi32, #tpu.memory_space<vmem>>, %arg9: memref<128x128xf32, #tpu.memory_space<vmem>>, %arg10: memref<10240x128xf32, #tpu.memory_space<vmem_shared>>, %arg11: memref<!tpu.dma_semaphore, #tpu.memory_space<semaphore_mem>>) attributes {dimension_semantics = [#tpu.dimension_semantics<core_parallel>, #tpu.dimension_semantics<subcore_parallel>], iteration_bounds = array<i64: 2, 16>, scalar_prefetch = 0 : i64, scratch_operands = 5 : i64, tpu.core_type = #tpu.core_type<sc_vector_subcore>, window_params = [{transform_indices = #map}, {transform_indices = #map1}, {transform_indices = #map1}, {transform_indices = #map}, {transform_indices = #map1}]} {
    %mul3A = arith.constant 2 : i32
    %mul3A_0 = arith.muli %arg1, %mul3A : i32
    %add3A = arith.addi %mul3A_0, %arg0 : i32
    %eq3A = arith.constant 0 : i32
    %eq3A_1 = arith.cmpi eq, %arg0, %eq3A : i32
    %convert_element_type3A = arith.extui %eq3A_1 : i1 to i32
    %cond3A = arith.constant 0 : i32
    %cond3A_2 = arith.cmpi ne, %convert_element_type3A, %cond3A : i32
    scf.if %cond3A_2 {
      %mul3A_17 = arith.constant 640 : i32
      %mul3A_18 = arith.muli %arg1, %mul3A_17 : i32
      %mul3A_19 = arith.constant 640 : i32
      %mul3A_20 = arith.muli %arg1, %mul3A_19 : i32
      "tpu.region"() ({
        %run_scoped3A = tpu.sem_alloc : memref<!tpu.dma_semaphore, #tpu.memory_space<semaphore_mem>>
        %dma_start3A = arith.constant 0 : i32
        %dma_start3A_21 = tpu.memref_slice %arg10[%mul3A_20, %dma_start3A] : memref<10240x128xf32, #tpu.memory_space<vmem_shared>> -> memref<640x128xf32, #tpu.memory_space<vmem_shared>>
        %dma_start3A_22 = arith.constant 0 : i32
        %dma_start3A_23 = tpu.memref_slice %arg2[%mul3A_18, %dma_start3A_22] : memref<10240x128xf32, #tpu.memory_space<hbm>> -> memref<640x128xf32, #tpu.memory_space<hbm>>
        tpu.enqueue_dma source(%dma_start3A_23 : memref<640x128xf32, #tpu.memory_space<hbm>>) target(%dma_start3A_21 : memref<640x128xf32, #tpu.memory_space<vmem_shared>>) target_semaphore(%run_scoped3A : memref<!tpu.dma_semaphore, #tpu.memory_space<semaphore_mem>>)
        %dma_wait3A = arith.constant 0 : i32
        %dma_wait3A_24 = tpu.memref_slice %arg10[%mul3A_20, %dma_wait3A] : memref<10240x128xf32, #tpu.memory_space<vmem_shared>> -> memref<640x128xf32, #tpu.memory_space<vmem_shared>>
        %dma_wait3A_25 = arith.constant 0 : i32
        %dma_wait3A_26 = tpu.memref_slice %arg2[%mul3A_18, %dma_wait3A_25] : memref<10240x128xf32, #tpu.memory_space<hbm>> -> memref<640x128xf32, #tpu.memory_space<hbm>>
        tpu.wait_dma2 semaphore(%run_scoped3A : memref<!tpu.dma_semaphore, #tpu.memory_space<semaphore_mem>>) src(%dma_wait3A_26 : memref<640x128xf32, #tpu.memory_space<hbm>>) dst(%dma_wait3A_24 : memref<640x128xf32, #tpu.memory_space<vmem_shared>>)
        tpu.yield
      }) : () -> ()
    } else {
    }
    %ne3A = arith.constant 0 : i32
    %ne3A_3 = arith.cmpi ne, %arg0, %ne3A : i32
    %convert_element_type3A_4 = arith.extui %ne3A_3 : i1 to i32
    %cond3A_5 = arith.constant 0 : i32
    %cond3A_6 = arith.cmpi ne, %convert_element_type3A_4, %cond3A_5 : i32
    scf.if %cond3A_6 {
      %mul3A_17 = arith.constant 640 : i32
      %mul3A_18 = arith.muli %arg1, %mul3A_17 : i32
      %mul3A_19 = arith.constant 640 : i32
      %mul3A_20 = arith.muli %arg1, %mul3A_19 : i32
      "tpu.region"() ({
        %run_scoped3A = tpu.sem_alloc : memref<!tpu.dma_semaphore, #tpu.memory_space<semaphore_mem>>
        %dma_start3A = arith.constant 0 : i32
        %dma_start3A_21 = tpu.memref_slice %arg10[%mul3A_20, %dma_start3A] : memref<10240x128xf32, #tpu.memory_space<vmem_shared>> -> memref<640x128xf32, #tpu.memory_space<vmem_shared>>
        %dma_start3A_22 = arith.constant 0 : i32
        %dma_start3A_23 = tpu.memref_slice %arg5[%mul3A_18, %dma_start3A_22] : memref<10240x128xf32, #tpu.memory_space<hbm>> -> memref<640x128xf32, #tpu.memory_space<hbm>>
        tpu.enqueue_dma source(%dma_start3A_23 : memref<640x128xf32, #tpu.memory_space<hbm>>) target(%dma_start3A_21 : memref<640x128xf32, #tpu.memory_space<vmem_shared>>) target_semaphore(%run_scoped3A : memref<!tpu.dma_semaphore, #tpu.memory_space<semaphore_mem>>)
        %dma_wait3A = arith.constant 0 : i32
        %dma_wait3A_24 = tpu.memref_slice %arg10[%mul3A_20, %dma_wait3A] : memref<10240x128xf32, #tpu.memory_space<vmem_shared>> -> memref<640x128xf32, #tpu.memory_space<vmem_shared>>
        %dma_wait3A_25 = arith.constant 0 : i32
        %dma_wait3A_26 = tpu.memref_slice %arg5[%mul3A_18, %dma_wait3A_25] : memref<10240x128xf32, #tpu.memory_space<hbm>> -> memref<640x128xf32, #tpu.memory_space<hbm>>
        tpu.wait_dma2 semaphore(%run_scoped3A : memref<!tpu.dma_semaphore, #tpu.memory_space<semaphore_mem>>) src(%dma_wait3A_26 : memref<640x128xf32, #tpu.memory_space<hbm>>) dst(%dma_wait3A_24 : memref<640x128xf32, #tpu.memory_space<vmem_shared>>)
        tpu.yield
      }) : () -> ()
    } else {
    }
    "tpu.region"() ({
      %run_scoped3A = tpu.sem_alloc : memref<!tpu.dma_semaphore, #tpu.memory_space<semaphore_mem>>
      %dma_start3A = arith.constant 0 : i32
      %dma_start3A_17 = arith.constant 0 : i32
      %dma_start3A_18 = tpu.memref_slice %arg3[%add3A, %dma_start3A, %dma_start3A_17] : memref<32x79x128xi32, #tpu.memory_space<hbm>> -> memref<1x79x128xi32, #tpu.memory_space<hbm>>
      %dma_start3A_19 = tpu.memref_squeeze %dma_start3A_18 : memref<1x79x128xi32, #tpu.memory_space<hbm>> -> memref<79x128xi32, #tpu.memory_space<hbm>>
      %dma_start3A_20 = arith.constant 0 : i32
      %dma_start3A_21 = arith.constant 0 : i32
      %dma_start3A_22 = tpu.memref_slice %arg3[%add3A, %dma_start3A_20, %dma_start3A_21] : memref<32x79x128xi32, #tpu.memory_space<hbm>> -> memref<1x79x128xi32, #tpu.memory_space<hbm>>
      %dma_start3A_23 = tpu.memref_squeeze %dma_start3A_22 : memref<1x79x128xi32, #tpu.memory_space<hbm>> -> memref<79x128xi32, #tpu.memory_space<hbm>>
      tpu.enqueue_dma source(%dma_start3A_23 : memref<79x128xi32, #tpu.memory_space<hbm>>) target(%arg7 : memref<79x128xi32, #tpu.memory_space<vmem>>) target_semaphore(%run_scoped3A : memref<!tpu.dma_semaphore, #tpu.memory_space<semaphore_mem>>)
      %dma_wait3A = arith.constant 0 : i32
      %dma_wait3A_24 = arith.constant 0 : i32
      %dma_wait3A_25 = tpu.memref_slice %arg3[%add3A, %dma_wait3A, %dma_wait3A_24] : memref<32x79x128xi32, #tpu.memory_space<hbm>> -> memref<1x79x128xi32, #tpu.memory_space<hbm>>
      %dma_wait3A_26 = tpu.memref_squeeze %dma_wait3A_25 : memref<1x79x128xi32, #tpu.memory_space<hbm>> -> memref<79x128xi32, #tpu.memory_space<hbm>>
      %dma_wait3A_27 = arith.constant 0 : i32
      %dma_wait3A_28 = arith.constant 0 : i32
      %dma_wait3A_29 = tpu.memref_slice %arg3[%add3A, %dma_wait3A_27, %dma_wait3A_28] : memref<32x79x128xi32, #tpu.memory_space<hbm>> -> memref<1x79x128xi32, #tpu.memory_space<hbm>>
      %dma_wait3A_30 = tpu.memref_squeeze %dma_wait3A_29 : memref<1x79x128xi32, #tpu.memory_space<hbm>> -> memref<79x128xi32, #tpu.memory_space<hbm>>
      tpu.wait_dma2 semaphore(%run_scoped3A : memref<!tpu.dma_semaphore, #tpu.memory_space<semaphore_mem>>) src(%dma_wait3A_30 : memref<79x128xi32, #tpu.memory_space<hbm>>) dst(%arg7 : memref<79x128xi32, #tpu.memory_space<vmem>>)
      tpu.yield
    }) : () -> ()
    "tpu.region"() ({
      %run_scoped3A = tpu.sem_alloc : memref<!tpu.dma_semaphore, #tpu.memory_space<semaphore_mem>>
      %dma_start3A = arith.constant 0 : i32
      %dma_start3A_17 = arith.constant 0 : i32
      %dma_start3A_18 = tpu.memref_slice %arg4[%add3A, %dma_start3A, %dma_start3A_17] : memref<32x79x128xi32, #tpu.memory_space<hbm>> -> memref<1x79x128xi32, #tpu.memory_space<hbm>>
      %dma_start3A_19 = tpu.memref_squeeze %dma_start3A_18 : memref<1x79x128xi32, #tpu.memory_space<hbm>> -> memref<79x128xi32, #tpu.memory_space<hbm>>
      %dma_start3A_20 = arith.constant 0 : i32
      %dma_start3A_21 = arith.constant 0 : i32
      %dma_start3A_22 = tpu.memref_slice %arg4[%add3A, %dma_start3A_20, %dma_start3A_21] : memref<32x79x128xi32, #tpu.memory_space<hbm>> -> memref<1x79x128xi32, #tpu.memory_space<hbm>>
      %dma_start3A_23 = tpu.memref_squeeze %dma_start3A_22 : memref<1x79x128xi32, #tpu.memory_space<hbm>> -> memref<79x128xi32, #tpu.memory_space<hbm>>
      tpu.enqueue_dma source(%dma_start3A_23 : memref<79x128xi32, #tpu.memory_space<hbm>>) target(%arg8 : memref<79x128xi32, #tpu.memory_space<vmem>>) target_semaphore(%run_scoped3A : memref<!tpu.dma_semaphore, #tpu.memory_space<semaphore_mem>>)
      %dma_wait3A = arith.constant 0 : i32
      %dma_wait3A_24 = arith.constant 0 : i32
      %dma_wait3A_25 = tpu.memref_slice %arg4[%add3A, %dma_wait3A, %dma_wait3A_24] : memref<32x79x128xi32, #tpu.memory_space<hbm>> -> memref<1x79x128xi32, #tpu.memory_space<hbm>>
      %dma_wait3A_26 = tpu.memref_squeeze %dma_wait3A_25 : memref<1x79x128xi32, #tpu.memory_space<hbm>> -> memref<79x128xi32, #tpu.memory_space<hbm>>
      %dma_wait3A_27 = arith.constant 0 : i32
      %dma_wait3A_28 = arith.constant 0 : i32
      %dma_wait3A_29 = tpu.memref_slice %arg4[%add3A, %dma_wait3A_27, %dma_wait3A_28] : memref<32x79x128xi32, #tpu.memory_space<hbm>> -> memref<1x79x128xi32, #tpu.memory_space<hbm>>
      %dma_wait3A_30 = tpu.memref_squeeze %dma_wait3A_29 : memref<1x79x128xi32, #tpu.memory_space<hbm>> -> memref<79x128xi32, #tpu.memory_space<hbm>>
      tpu.wait_dma2 semaphore(%run_scoped3A : memref<!tpu.dma_semaphore, #tpu.memory_space<semaphore_mem>>) src(%dma_wait3A_30 : memref<79x128xi32, #tpu.memory_space<hbm>>) dst(%arg8 : memref<79x128xi32, #tpu.memory_space<vmem>>)
      tpu.yield
    }) : () -> ()
    %barrier3A = arith.constant 0 : index
    tpu.barrier barrier_id(%barrier3A)
    %scan3A = arith.constant 0 : i32
    %scan3A_7 = arith.constant 0 : i32
    %scan3A_8 = arith.constant 79 : i32
    %scan3A_9 = arith.addi %scan3A_7, %scan3A_8 : i32
    %scan3A_10 = arith.constant 1 : i32
    scf.for %scan3A_17 = %scan3A_7 to %scan3A_9 step %scan3A_10  : i32 {
      %dma_start3A = arith.constant 0 : i32
      %dma_start3A_18 = tpu.memref_slice %arg7[%scan3A_17, %dma_start3A] : memref<79x128xi32, #tpu.memory_space<vmem>> -> memref<1x128xi32, #tpu.memory_space<vmem>>
      %dma_start3A_19 = tpu.memref_squeeze %dma_start3A_18 : memref<1x128xi32, #tpu.memory_space<vmem>> -> memref<128xi32, #tpu.memory_space<vmem>>
      %dma_start3A_20 = arith.constant 0 : i32
      %dma_start3A_21 = arith.constant 0 : i32
      %dma_start3A_22 = tpu.memref_slice %arg2[%dma_start3A_20, %dma_start3A_21] : memref<10240x128xf32, #tpu.memory_space<hbm>> -> memref<10240x128xf32, #tpu.memory_space<hbm>>
      tpu.enqueue_indirect_dma source(%dma_start3A_22 : memref<10240x128xf32, #tpu.memory_space<hbm>>) target(%arg9 : memref<128x128xf32, #tpu.memory_space<vmem>>) offsets(%dma_start3A_19 : memref<128xi32, #tpu.memory_space<vmem>>) semaphore(%arg11 : memref<!tpu.dma_semaphore, #tpu.memory_space<semaphore_mem>>)
      %dma_wait3A = arith.constant 0 : i32
      %dma_wait3A_23 = tpu.memref_slice %arg7[%scan3A_17, %dma_wait3A] : memref<79x128xi32, #tpu.memory_space<vmem>> -> memref<1x128xi32, #tpu.memory_space<vmem>>
      %dma_wait3A_24 = tpu.memref_squeeze %dma_wait3A_23 : memref<1x128xi32, #tpu.memory_space<vmem>> -> memref<128xi32, #tpu.memory_space<vmem>>
      %dma_wait3A_25 = arith.constant 0 : i32
      %dma_wait3A_26 = arith.constant 0 : i32
      %dma_wait3A_27 = tpu.memref_slice %arg2[%dma_wait3A_25, %dma_wait3A_26] : memref<10240x128xf32, #tpu.memory_space<hbm>> -> memref<10240x128xf32, #tpu.memory_space<hbm>>
      tpu.wait_indirect_dma semaphore(%arg11 : memref<!tpu.dma_semaphore, #tpu.memory_space<semaphore_mem>>) src(%dma_wait3A_27 : memref<10240x128xf32, #tpu.memory_space<hbm>>) dst(%arg9 : memref<128x128xf32, #tpu.memory_space<vmem>>)
      "tpu.region"() ({
        %run_scoped3A = tpu.sem_alloc : memref<!tpu.dma_semaphore, #tpu.memory_space<semaphore_mem>>
        %dma_start3A_28 = arith.constant 0 : i32
        %dma_start3A_29 = tpu.memref_slice %arg8[%scan3A_17, %dma_start3A_28] : memref<79x128xi32, #tpu.memory_space<vmem>> -> memref<1x128xi32, #tpu.memory_space<vmem>>
        %dma_start3A_30 = tpu.memref_squeeze %dma_start3A_29 : memref<1x128xi32, #tpu.memory_space<vmem>> -> memref<128xi32, #tpu.memory_space<vmem>>
        %dma_start3A_31 = arith.constant 0 : i32
        %dma_start3A_32 = arith.constant 0 : i32
        %dma_start3A_33 = tpu.memref_slice %arg10[%dma_start3A_31, %dma_start3A_32] : memref<10240x128xf32, #tpu.memory_space<vmem_shared>> -> memref<10240x128xf32, #tpu.memory_space<vmem_shared>>
        tpu.enqueue_indirect_dma source(%arg9 : memref<128x128xf32, #tpu.memory_space<vmem>>) target(%dma_start3A_33 : memref<10240x128xf32, #tpu.memory_space<vmem_shared>>) offsets(%dma_start3A_30 : memref<128xi32, #tpu.memory_space<vmem>>) semaphore(%run_scoped3A : memref<!tpu.dma_semaphore, #tpu.memory_space<semaphore_mem>>) {add = true}
        %dma_wait3A_34 = arith.constant 0 : i32
        %dma_wait3A_35 = tpu.memref_slice %arg8[%scan3A_17, %dma_wait3A_34] : memref<79x128xi32, #tpu.memory_space<vmem>> -> memref<1x128xi32, #tpu.memory_space<vmem>>
        %dma_wait3A_36 = tpu.memref_squeeze %dma_wait3A_35 : memref<1x128xi32, #tpu.memory_space<vmem>> -> memref<128xi32, #tpu.memory_space<vmem>>
        %dma_wait3A_37 = arith.constant 0 : i32
        %dma_wait3A_38 = arith.constant 0 : i32
        %dma_wait3A_39 = tpu.memref_slice %arg10[%dma_wait3A_37, %dma_wait3A_38] : memref<10240x128xf32, #tpu.memory_space<vmem_shared>> -> memref<10240x128xf32, #tpu.memory_space<vmem_shared>>
        tpu.wait_indirect_dma semaphore(%run_scoped3A : memref<!tpu.dma_semaphore, #tpu.memory_space<semaphore_mem>>) src(%arg9 : memref<128x128xf32, #tpu.memory_space<vmem>>) dst(%dma_wait3A_39 : memref<10240x128xf32, #tpu.memory_space<vmem_shared>>)
        tpu.yield
      }) : () -> ()
    }
    %scan3A_11 = arith.constant 79 : i32
    %barrier3A_12 = arith.constant 0 : index
    tpu.barrier barrier_id(%barrier3A_12)
    %mul3A_13 = arith.constant 640 : i32
    %mul3A_14 = arith.muli %arg1, %mul3A_13 : i32
    %mul3A_15 = arith.constant 640 : i32
    %mul3A_16 = arith.muli %arg1, %mul3A_15 : i32
    "tpu.region"() ({
      %run_scoped3A = tpu.sem_alloc : memref<!tpu.dma_semaphore, #tpu.memory_space<semaphore_mem>>
      %dma_start3A = arith.constant 0 : i32
      %dma_start3A_17 = tpu.memref_slice %arg6[%arg0, %mul3A_16, %dma_start3A] : memref<2x10240x128xf32, #tpu.memory_space<hbm>> -> memref<1x640x128xf32, #tpu.memory_space<hbm>>
      %dma_start3A_18 = tpu.memref_squeeze %dma_start3A_17 : memref<1x640x128xf32, #tpu.memory_space<hbm>> -> memref<640x128xf32, #tpu.memory_space<hbm>>
      %dma_start3A_19 = arith.constant 0 : i32
      %dma_start3A_20 = tpu.memref_slice %arg10[%mul3A_14, %dma_start3A_19] : memref<10240x128xf32, #tpu.memory_space<vmem_shared>> -> memref<640x128xf32, #tpu.memory_space<vmem_shared>>
      tpu.enqueue_dma source(%dma_start3A_20 : memref<640x128xf32, #tpu.memory_space<vmem_shared>>) target(%dma_start3A_18 : memref<640x128xf32, #tpu.memory_space<hbm>>) target_semaphore(%run_scoped3A : memref<!tpu.dma_semaphore, #tpu.memory_space<semaphore_mem>>)
      %dma_wait3A = arith.constant 0 : i32
      %dma_wait3A_21 = tpu.memref_slice %arg6[%arg0, %mul3A_16, %dma_wait3A] : memref<2x10240x128xf32, #tpu.memory_space<hbm>> -> memref<1x640x128xf32, #tpu.memory_space<hbm>>
      %dma_wait3A_22 = tpu.memref_squeeze %dma_wait3A_21 : memref<1x640x128xf32, #tpu.memory_space<hbm>> -> memref<640x128xf32, #tpu.memory_space<hbm>>
      %dma_wait3A_23 = arith.constant 0 : i32
      %dma_wait3A_24 = tpu.memref_slice %arg10[%mul3A_14, %dma_wait3A_23] : memref<10240x128xf32, #tpu.memory_space<vmem_shared>> -> memref<640x128xf32, #tpu.memory_space<vmem_shared>>
      tpu.wait_dma2 semaphore(%run_scoped3A : memref<!tpu.dma_semaphore, #tpu.memory_space<semaphore_mem>>) src(%dma_wait3A_24 : memref<640x128xf32, #tpu.memory_space<vmem_shared>>) dst(%dma_wait3A_22 : memref<640x128xf32, #tpu.memory_space<hbm>>)
      tpu.yield
    }) : () -> ()
    return
  }
}

module attributes {stable_mosaic.version = 14 : i64} {
  func.func @_tcA_body(%arg0: i32, %arg1: memref<512x128xf32, #tpu.memory_space<vmem>>, %arg2: memref<128x128xf32, #tpu.memory_space<vmem>>, %arg3: memref<32x512xf32, #tpu.memory_space<vmem>>, %arg4: memref<512x128xf32, #tpu.memory_space<vmem>>, %arg5: memref<512x1xf32, #tpu.memory_space<vmem>>) attributes {dimension_semantics = [#tpu.dimension_semantics<arbitrary>], iteration_bounds = array<i64: 20>, scalar_prefetch = 0 : i64, scratch_operands = 0 : i64, tpu.core_type = #tpu.core_type<tc>, window_params = [{transform_indices = @transform_0, window_bounds = array<i64: 512, 128>}, {pipeline_mode = #tpu.pipeline_mode<synchronous>, transform_indices = @transform_1, window_bounds = array<i64: 128, 128>}, {transform_indices = @transform_2, window_bounds = array<i64: 32, 512>}, {transform_indices = @transform_3, window_bounds = array<i64: 512, 128>}, {transform_indices = @transform_4, window_bounds = array<i64: 512, 1>}]} {
    %get3A = arith.constant 0 : index
    %get3A_0 = arith.constant 0 : index
    %get3A_1 = vector.load %arg3[%get3A, %get3A_0] : memref<32x512xf32, #tpu.memory_space<vmem>>, vector<32x512xf32>
    %reduce_sum3A = arith.constant dense<0.000000e+00> : vector<512xf32>
    %reduce_sum3A_2 = vector.multi_reduction <add>, %get3A_1, %reduce_sum3A [0] : vector<32x512xf32> to vector<512xf32>
    %add3A = arith.constant 1.000000e+00 : f32
    %add3A_3 = vector.broadcast %add3A : f32 to vector<512xf32>
    %add3A_4 = arith.addf %reduce_sum3A_2, %add3A_3 : vector<512xf32>
    %rsqrt3A = math.rsqrt %add3A_4 : vector<512xf32>
    %reshape3A = vector.shape_cast %rsqrt3A : vector<512xf32> to vector<512x1xf32>
    %get3A_5 = arith.constant 0 : index
    %get3A_6 = arith.constant 0 : index
    %get3A_7 = vector.load %arg1[%get3A_5, %get3A_6] : memref<512x128xf32, #tpu.memory_space<vmem>>, vector<512x128xf32>
    %get3A_8 = arith.constant 0 : index
    %get3A_9 = arith.constant 0 : index
    %get3A_10 = vector.load %arg2[%get3A_8, %get3A_9] : memref<128x128xf32, #tpu.memory_space<vmem>>, vector<128x128xf32>
    %dot_general3A = arith.constant dense<0.000000e+00> : vector<512x128xf32>
    %dot_general3A_11 = tpu.matmul %get3A_7, %get3A_10, %dot_general3A {dimension_numbers = #tpu.dot_dimension_numbers<[1], [0], [0], [1], [0, 0, 1, 1], [], []>, transpose_lhs_hint = false} : vector<512x128xf32>, vector<128x128xf32>, vector<512x128xf32> -> vector<512x128xf32>
    %mul3A = vector.broadcast %reshape3A : vector<512x1xf32> to vector<512x128xf32>
    %mul3A_12 = arith.mulf %dot_general3A_11, %mul3A : vector<512x128xf32>
    %swap3A = arith.constant 0 : index
    %swap3A_13 = arith.constant 0 : index
    %swap3A_14 = vector.load %arg4[%swap3A, %swap3A_13] : memref<512x128xf32, #tpu.memory_space<vmem>>, vector<512x128xf32>
    tpu.vector_store %arg4[%swap3A, %swap3A_13], %mul3A_12 {strides = array<i32>} : memref<512x128xf32, #tpu.memory_space<vmem>>, vector<512x128xf32>,
    %swap3A_15 = arith.constant 0 : index
    %swap3A_16 = arith.constant 0 : index
    %swap3A_17 = vector.load %arg5[%swap3A_15, %swap3A_16] : memref<512x1xf32, #tpu.memory_space<vmem>>, vector<512x1xf32>
    tpu.vector_store %arg5[%swap3A_15, %swap3A_16], %reshape3A {strides = array<i32>} : memref<512x1xf32, #tpu.memory_space<vmem>>, vector<512x1xf32>,
    return
  }
  func.func @transform_0(%arg0: i32) -> (i32, i32) {
    %c0_i32 = arith.constant 0 : i32
    %c0_i32_0 = arith.constant 0 : i32
    return %arg0, %c0_i32 : i32, i32
  }
  func.func @transform_1(%arg0: i32) -> (i32, i32) {
    %c0_i32 = arith.constant 0 : i32
    %c0_i32_0 = arith.constant 0 : i32
    %c0_i32_1 = arith.constant 0 : i32
    return %c0_i32, %c0_i32_0 : i32, i32
  }
  func.func @transform_2(%arg0: i32) -> (i32, i32) {
    %c0_i32 = arith.constant 0 : i32
    %c0_i32_0 = arith.constant 0 : i32
    return %c0_i32, %arg0 : i32, i32
  }
  func.func @transform_3(%arg0: i32) -> (i32, i32) {
    %c0_i32 = arith.constant 0 : i32
    %c0_i32_0 = arith.constant 0 : i32
    return %arg0, %c0_i32 : i32, i32
  }
  func.func @transform_4(%arg0: i32) -> (i32, i32) {
    %c0_i32 = arith.constant 0 : i32
    %c0_i32_0 = arith.constant 0 : i32
    return %arg0, %c0_i32 : i32, i32
  }
}

module attributes {stable_mosaic.version = 14 : i64} {
  func.func @_tcB_body(%arg0: i32, %arg1: memref<2x512x128xf32, #tpu.memory_space<vmem>>, %arg2: memref<512x1xf32, #tpu.memory_space<vmem>>, %arg3: memref<1x128xf32, #tpu.memory_space<vmem>>, %arg4: memref<1x128xf32, #tpu.memory_space<vmem>>, %arg5: memref<1x128xf32, #tpu.memory_space<vmem>>, %arg6: memref<128x128xf32, #tpu.memory_space<vmem>>, %arg7: memref<512x128xf32, #tpu.memory_space<vmem>>) attributes {dimension_semantics = [#tpu.dimension_semantics<arbitrary>], iteration_bounds = array<i64: 20>, scalar_prefetch = 0 : i64, scratch_operands = 0 : i64, tpu.core_type = #tpu.core_type<tc>, window_params = [{transform_indices = @transform_0, window_bounds = array<i64: 2, 512, 128>}, {transform_indices = @transform_1, window_bounds = array<i64: 512, 1>}, {pipeline_mode = #tpu.pipeline_mode<synchronous>, transform_indices = @transform_2, window_bounds = array<i64: 1, 128>}, {pipeline_mode = #tpu.pipeline_mode<synchronous>, transform_indices = @transform_3, window_bounds = array<i64: 1, 128>}, {pipeline_mode = #tpu.pipeline_mode<synchronous>, transform_indices = @transform_4, window_bounds = array<i64: 1, 128>}, {pipeline_mode = #tpu.pipeline_mode<synchronous>, transform_indices = @transform_5, window_bounds = array<i64: 128, 128>}, {transform_indices = @transform_6, window_bounds = array<i64: 512, 128>}]} {
    %get3A = arith.constant 0 : index
    %get3A_0 = arith.constant 0 : index
    %get3A_1 = vector.load %arg2[%get3A, %get3A_0] : memref<512x1xf32, #tpu.memory_space<vmem>>, vector<512x1xf32>
    %get3A_2 = arith.constant 0 : index
    %get3A_3 = arith.constant 0 : index
    %get3A_4 = arith.constant 0 : index
    %get3A_5 = vector.load %arg1[%get3A_2, %get3A_3, %get3A_4] : memref<2x512x128xf32, #tpu.memory_space<vmem>>, vector<1x512x128xf32>
    %get3A_6 = vector.shape_cast %get3A_5 : vector<1x512x128xf32> to vector<512x128xf32>
    %get3A_7 = arith.constant 1 : index
    %get3A_8 = arith.constant 0 : index
    %get3A_9 = arith.constant 0 : index
    %get3A_10 = vector.load %arg1[%get3A_7, %get3A_8, %get3A_9] : memref<2x512x128xf32, #tpu.memory_space<vmem>>, vector<1x512x128xf32>
    %get3A_11 = vector.shape_cast %get3A_10 : vector<1x512x128xf32> to vector<512x128xf32>
    %add3A = arith.addf %get3A_6, %get3A_11 : vector<512x128xf32>
    %mul3A = vector.broadcast %get3A_1 : vector<512x1xf32> to vector<512x128xf32>
    %mul3A_12 = arith.mulf %add3A, %mul3A : vector<512x128xf32>
    %get3A_13 = arith.constant 0 : index
    %get3A_14 = arith.constant 0 : index
    %get3A_15 = vector.load %arg3[%get3A_13, %get3A_14] : memref<1x128xf32, #tpu.memory_space<vmem>>, vector<1x128xf32>
    %add3A_16 = vector.broadcast %get3A_15 : vector<1x128xf32> to vector<512x128xf32>
    %add3A_17 = arith.addf %mul3A_12, %add3A_16 : vector<512x128xf32>
    %get3A_18 = arith.constant 0 : index
    %get3A_19 = arith.constant 0 : index
    %get3A_20 = vector.load %arg4[%get3A_18, %get3A_19] : memref<1x128xf32, #tpu.memory_space<vmem>>, vector<1x128xf32>
    %sqrt3A = arith.constant 1.000010e+00 : f32
    %sqrt3A_21 = math.sqrt %sqrt3A : f32
    %div3A = arith.constant 1.000000e+00 : f32
    %div3A_22 = arith.divf %div3A, %sqrt3A_21 : f32
    %mul3A_23 = vector.broadcast %div3A_22 : f32 to vector<1x128xf32>
    %mul3A_24 = arith.mulf %get3A_20, %mul3A_23 : vector<1x128xf32>
    %mul3A_25 = vector.broadcast %mul3A_24 : vector<1x128xf32> to vector<512x128xf32>
    %mul3A_26 = arith.mulf %add3A_17, %mul3A_25 : vector<512x128xf32>
    %get3A_27 = arith.constant 0 : index
    %get3A_28 = arith.constant 0 : index
    %get3A_29 = vector.load %arg5[%get3A_27, %get3A_28] : memref<1x128xf32, #tpu.memory_space<vmem>>, vector<1x128xf32>
    %add3A_30 = vector.broadcast %get3A_29 : vector<1x128xf32> to vector<512x128xf32>
    %add3A_31 = arith.addf %mul3A_26, %add3A_30 : vector<512x128xf32>
    %max3A = arith.constant 0.000000e+00 : f32
    %max3A_32 = vector.broadcast %max3A : f32 to vector<512x128xf32>
    %max3A_33 = arith.maximumf %add3A_31, %max3A_32 : vector<512x128xf32>
    %get3A_34 = arith.constant 0 : index
    %get3A_35 = arith.constant 0 : index
    %get3A_36 = vector.load %arg6[%get3A_34, %get3A_35] : memref<128x128xf32, #tpu.memory_space<vmem>>, vector<128x128xf32>
    %dot_general3A = arith.constant dense<0.000000e+00> : vector<512x128xf32>
    %dot_general3A_37 = tpu.matmul %max3A_33, %get3A_36, %dot_general3A {dimension_numbers = #tpu.dot_dimension_numbers<[1], [0], [0], [1], [0, 0, 1, 1], [], []>, transpose_lhs_hint = false} : vector<512x128xf32>, vector<128x128xf32>, vector<512x128xf32> -> vector<512x128xf32>
    %mul3A_38 = vector.broadcast %get3A_1 : vector<512x1xf32> to vector<512x128xf32>
    %mul3A_39 = arith.mulf %dot_general3A_37, %mul3A_38 : vector<512x128xf32>
    %swap3A = arith.constant 0 : index
    %swap3A_40 = arith.constant 0 : index
    %swap3A_41 = vector.load %arg7[%swap3A, %swap3A_40] : memref<512x128xf32, #tpu.memory_space<vmem>>, vector<512x128xf32>
    tpu.vector_store %arg7[%swap3A, %swap3A_40], %mul3A_39 {strides = array<i32>} : memref<512x128xf32, #tpu.memory_space<vmem>>, vector<512x128xf32>,
    return
  }
  func.func @transform_0(%arg0: i32) -> (i32, i32, i32) {
    %c0_i32 = arith.constant 0 : i32
    %c0_i32_0 = arith.constant 0 : i32
    %c0_i32_1 = arith.constant 0 : i32
    return %c0_i32, %arg0, %c0_i32_0 : i32, i32, i32
  }
  func.func @transform_1(%arg0: i32) -> (i32, i32) {
    %c0_i32 = arith.constant 0 : i32
    %c0_i32_0 = arith.constant 0 : i32
    return %arg0, %c0_i32 : i32, i32
  }
  func.func @transform_2(%arg0: i32) -> (i32, i32) {
    %c0_i32 = arith.constant 0 : i32
    %c0_i32_0 = arith.constant 0 : i32
    %c0_i32_1 = arith.constant 0 : i32
    return %c0_i32, %c0_i32_0 : i32, i32
  }
  func.func @transform_3(%arg0: i32) -> (i32, i32) {
    %c0_i32 = arith.constant 0 : i32
    %c0_i32_0 = arith.constant 0 : i32
    %c0_i32_1 = arith.constant 0 : i32
    return %c0_i32, %c0_i32_0 : i32, i32
  }
  func.func @transform_4(%arg0: i32) -> (i32, i32) {
    %c0_i32 = arith.constant 0 : i32
    %c0_i32_0 = arith.constant 0 : i32
    %c0_i32_1 = arith.constant 0 : i32
    return %c0_i32, %c0_i32_0 : i32, i32
  }
  func.func @transform_5(%arg0: i32) -> (i32, i32) {
    %c0_i32 = arith.constant 0 : i32
    %c0_i32_0 = arith.constant 0 : i32
    %c0_i32_1 = arith.constant 0 : i32
    return %c0_i32, %c0_i32_0 : i32, i32
  }
  func.func @transform_6(%arg0: i32) -> (i32, i32) {
    %c0_i32 = arith.constant 0 : i32
    %c0_i32_0 = arith.constant 0 : i32
    return %arg0, %c0_i32 : i32, i32
  }
}

module attributes {stable_mosaic.version = 14 : i64} {
  func.func @_tcC_body(%arg0: i32, %arg1: memref<2x512x128xf32, #tpu.memory_space<vmem>>, %arg2: memref<512x1xf32, #tpu.memory_space<vmem>>, %arg3: memref<1x128xf32, #tpu.memory_space<vmem>>, %arg4: memref<512x128xf32, #tpu.memory_space<vmem>>) attributes {dimension_semantics = [#tpu.dimension_semantics<arbitrary>], iteration_bounds = array<i64: 20>, scalar_prefetch = 0 : i64, scratch_operands = 0 : i64, tpu.core_type = #tpu.core_type<tc>, window_params = [{transform_indices = @transform_0, window_bounds = array<i64: 2, 512, 128>}, {transform_indices = @transform_1, window_bounds = array<i64: 512, 1>}, {pipeline_mode = #tpu.pipeline_mode<synchronous>, transform_indices = @transform_2, window_bounds = array<i64: 1, 128>}, {transform_indices = @transform_3, window_bounds = array<i64: 512, 128>}]} {
    %get3A = arith.constant 0 : index
    %get3A_0 = arith.constant 0 : index
    %get3A_1 = arith.constant 0 : index
    %get3A_2 = vector.load %arg1[%get3A, %get3A_0, %get3A_1] : memref<2x512x128xf32, #tpu.memory_space<vmem>>, vector<1x512x128xf32>
    %get3A_3 = vector.shape_cast %get3A_2 : vector<1x512x128xf32> to vector<512x128xf32>
    %get3A_4 = arith.constant 1 : index
    %get3A_5 = arith.constant 0 : index
    %get3A_6 = arith.constant 0 : index
    %get3A_7 = vector.load %arg1[%get3A_4, %get3A_5, %get3A_6] : memref<2x512x128xf32, #tpu.memory_space<vmem>>, vector<1x512x128xf32>
    %get3A_8 = vector.shape_cast %get3A_7 : vector<1x512x128xf32> to vector<512x128xf32>
    %add3A = arith.addf %get3A_3, %get3A_8 : vector<512x128xf32>
    %get3A_9 = arith.constant 0 : index
    %get3A_10 = arith.constant 0 : index
    %get3A_11 = vector.load %arg2[%get3A_9, %get3A_10] : memref<512x1xf32, #tpu.memory_space<vmem>>, vector<512x1xf32>
    %mul3A = vector.broadcast %get3A_11 : vector<512x1xf32> to vector<512x128xf32>
    %mul3A_12 = arith.mulf %add3A, %mul3A : vector<512x128xf32>
    %get3A_13 = arith.constant 0 : index
    %get3A_14 = arith.constant 0 : index
    %get3A_15 = vector.load %arg3[%get3A_13, %get3A_14] : memref<1x128xf32, #tpu.memory_space<vmem>>, vector<1x128xf32>
    %add3A_16 = vector.broadcast %get3A_15 : vector<1x128xf32> to vector<512x128xf32>
    %add3A_17 = arith.addf %mul3A_12, %add3A_16 : vector<512x128xf32>
    %reduce_max3A = arith.constant dense<0xFF800000> : vector<512xf32>
    %reduce_max3A_18 = vector.multi_reduction <maximumf>, %add3A_17, %reduce_max3A [1] : vector<512x128xf32> to vector<512xf32>
    %broadcast_in_dim3A = vector.shape_cast %reduce_max3A_18 : vector<512xf32> to vector<512x1xf32>
    %sub3A = vector.broadcast %broadcast_in_dim3A : vector<512x1xf32> to vector<512x128xf32>
    %sub3A_19 = arith.subf %add3A_17, %sub3A : vector<512x128xf32>
    %exp3A = math.exp %sub3A_19 : vector<512x128xf32>
    %sub3A_20 = vector.broadcast %broadcast_in_dim3A : vector<512x1xf32> to vector<512x128xf32>
    %sub3A_21 = arith.subf %add3A_17, %sub3A_20 : vector<512x128xf32>
    %reduce_sum3A = arith.constant dense<0.000000e+00> : vector<512xf32>
    %reduce_sum3A_22 = vector.multi_reduction <add>, %exp3A, %reduce_sum3A [1] : vector<512x128xf32> to vector<512xf32>
    %broadcast_in_dim3A_23 = vector.shape_cast %reduce_sum3A_22 : vector<512xf32> to vector<512x1xf32>
    %log3A = math.log %broadcast_in_dim3A_23 : vector<512x1xf32>
    %sub3A_24 = vector.broadcast %log3A : vector<512x1xf32> to vector<512x128xf32>
    %sub3A_25 = arith.subf %sub3A_21, %sub3A_24 : vector<512x128xf32>
    %swap3A = arith.constant 0 : index
    %swap3A_26 = arith.constant 0 : index
    %swap3A_27 = vector.load %arg4[%swap3A, %swap3A_26] : memref<512x128xf32, #tpu.memory_space<vmem>>, vector<512x128xf32>
    tpu.vector_store %arg4[%swap3A, %swap3A_26], %sub3A_25 {strides = array<i32>} : memref<512x128xf32, #tpu.memory_space<vmem>>, vector<512x128xf32>,
    return
  }
  func.func @transform_0(%arg0: i32) -> (i32, i32, i32) {
    %c0_i32 = arith.constant 0 : i32
    %c0_i32_0 = arith.constant 0 : i32
    %c0_i32_1 = arith.constant 0 : i32
    return %c0_i32, %arg0, %c0_i32_0 : i32, i32, i32
  }
  func.func @transform_1(%arg0: i32) -> (i32, i32) {
    %c0_i32 = arith.constant 0 : i32
    %c0_i32_0 = arith.constant 0 : i32
    return %arg0, %c0_i32 : i32, i32
  }
  func.func @transform_2(%arg0: i32) -> (i32, i32) {
    %c0_i32 = arith.constant 0 : i32
    %c0_i32_0 = arith.constant 0 : i32
    %c0_i32_1 = arith.constant 0 : i32
    return %c0_i32, %c0_i32_0 : i32, i32
  }
  func.func @transform_3(%arg0: i32) -> (i32, i32) {
    %c0_i32 = arith.constant 0 : i32
    %c0_i32_0 = arith.constant 0 : i32
    return %arg0, %c0_i32 : i32, i32
  }
}

</mosaic_0001>

<sc_bundles>
// kernel: kernel.11.cloned.1.call-start
scs
__scs_entry_jumppad:
0x0: {  	(pc) =	sbr.rel $0x88, $3  }
0x1: {  	(tag) =	ssettag $0x0;
	lr =	simm.s32 $0x1  }
0x2: {  	[smem:$0x3F99] =	sst lr;
	_ =	strace $0xD0000000  }
0x3: {  	_ = 	snop  }
0x4: {  	_ = 	snop  }
0x5: {  	_ = 	snop  }
0x6: {  	_ = 	snop  }
0x7: {  	_ = 	snop  }
__scs_overlays_trampoline_lowered:
0x8: {  	[smem:$0x3FA8] =	sst s0  }
0x9: {  	[smem:$0x3FA9] =	sst s1  }
0xa: {  	[smem:$0x3FAA] =	sst s2  }
0xb: {  	[smem:$0x3FAB] =	sst s3  }
0xc: {  	[smem:$0x3FAC] =	sst s4  }
0xd: {  	[smem:$0x3FAD] =	sst s5  }
0xe: {  	[smem:$0x3FAE] =	sst s6  }
0xf: {  	[smem:$0x3FAF] =	sst s7  }
0x10: {  	[smem:$0x3FB0] =	sst s8  }
0x11: {  	[smem:$0x3FB1] =	sst s9;
	s0 =	simm.s32 @!p0 $0x0  }
0x12: {  	s1 =	sld [smem:$0x3F97];
	s0 =	simm.s32 @p0 $0x1  }
0x13: {  	[smem:$0x3FB2] =	sst s0;
	s0 =	simm.s32 @!p1 $0x0  }
0x14: {  	s2 =	sld [smem:$0x3F96];
	s0 =	simm.s32 @p1 $0x1  }
0x15: {  	[smem:$0x3FB3] =	sst s0;
	s0 =	simm.s32 @!p2 $0x0  }
0x16: {  	s3 =	sld [smem:$0x3FDB];
	s0 =	simm.s32 @p2 $0x1  }
0x17: {  	s4 =	simm.s32 $0x1BF5;
	[smem:$0x3FB5] =	sst s0  }
0x18: {  	s0 =	sld [smem:$0x3F98];
	_ =	swait.ge [sflag:s4], $0x0  }
0x19: {  	s7 =	sld [smem:$0x3F99]  }
0x1a: {  	s8 =	sadd.s32 $0xFFFFE003, lr  }
0x1b: {  	s9 =	sadd.s32 $0xFFFFFEF7, lr;
	s5 =	simm.s32 $0xFFFFFFFF;
	p2 =	slt.u32 s8, $0xFFFFF086  }
0x1c: {  	p1 =	slt.u32 s9, $0xF7A;
	s5 =	simm.s32 @!p2 $0x0  }
0x1d: {  	s5 =	simm.s32 @p1 $0x1;
	p0 =	seq.s32 s7, s2  }
0x1e: {  	s7 =	smul.u32 @!p0 $0xF7A, s2;
	p2 =	seq.s32 @!p0 s5, $0x0  }
0x1f: {  	s9 =	smul.u32 $0xF7A, s1;
	s8 =	simm.s32 @!p0 $0x1BF5;
	p2 =	por !p2, p0  }
0x20: {  	[sflag:s8] =	ssyncset.s32 @!p0 $0xFFFFF086;
	s6 =	sadd.s32 @!p0 s3, s7;
	s7 =	simm.s32 @!p0 $0x108  }
0x21: {  	s3 =	sadd.s32 s3, s9;
	s6 =	sadd.s32 @!p0 $0x88, s6;
	s7 =	simm.s32 @p2 $0x1082  }
0x22: {  	[simem:s7], [sflag:s8] =	dma.local @!p0 [hbm:s6], $0xF7A  }
0x23: {  	s9 =	sor.u32 $0xD0000000, s2;
	s6 =	simm.s32 $0x108;
	_ =	swait.ge @!p0 [sflag:s8], $0x0  }
0x24: {  	s3 =	sadd.s32 $0x88, s3;
	s6 =	simm.s32 @!p1 $0x1082;
	[sflag:s4] =	ssyncset.s32 $0xFFFFF086  }
0x25: {  	[simem:s6], [sflag:s4] =	dma.local [hbm:s3], $0xF7A  }
0x26: {  	[smem:$0x3F99] =	sst s1;
	(tag) =	ssettag s2;
	_ =	strace s9  }
0x27: {  	s1 =	sld [smem:$0x3FA9]  }
0x28: {  	s2 =	sld [smem:$0x3FAA]  }
0x29: {  	s4 =	sld [smem:$0x3FAC]  }
0x2a: {  	p0 =	seq.s32 s5, $0x0;
	s5 =	sld [smem:$0x3FAD]  }
0x2b: {  	s6 =	sld [smem:$0x3FAE]  }
0x2c: {  	s7 =	sld [smem:$0x3FAF]  }
0x2d: {  	s3 =	simm.s32 $0x108;
	s8 =	sld [smem:$0x3FB0]  }
0x2e: {  	s3 =	simm.s32 @!p0 $0x1082;
	s9 =	sld [smem:$0x3FB1]  }
0x2f: {  	lr =	sadd.s32 s0, s3;
	s0 =	sld [smem:$0x3FA8]  }
0x30: {  	s3 =	sld [smem:$0x3FAB]  }
0x31: {  	[smem:$0x3FB4] =	sst s10  }
0x32: {  	s10 =	sld [smem:$0x3FB2];
	_ =	sdelay $0x3  }
0x33: {  	p0 =	seq.s32 s10, $0x1;
	s10 =	sld [smem:$0x3FB4];
	_ =	sdelay $0x3  }
0x34: {  	[smem:$0x3FB4] =	sst s10  }
0x35: {  	s10 =	sld [smem:$0x3FB3];
	_ =	sdelay $0x3  }
0x36: {  	p1 =	seq.s32 s10, $0x1;
	s10 =	sld [smem:$0x3FB4];
	_ =	sdelay $0x3  }
0x37: {  	[smem:$0x3FB4] =	sst s10  }
0x38: {  	s10 =	sld [smem:$0x3FB5]  }
0x39: {  	_ = 	snop;
	(pc) =	sbr.ind lr, $3  }
0x3a: {  	_ = 	snop  }
0x3b: {  	_ = 	snop  }
0x3c: {  	p2 =	seq.s32 s10, $0x1;
	s10 =	sld [smem:$0x3FB4]  }
0x3d: {  	_ =	shalt  }
0x3e: {  	_ =	shalt  }
0x3f: {  	_ =	shalt  }
0x40: {  	_ =	shalt  }
0x41: {  	_ =	shalt  }
0x42: {  	_ =	shalt  }
0x43: {  	_ =	shalt  }
0x44: {  	_ =	shalt  }
0x45: {  	_ =	shalt  }
0x46: {  	_ =	shalt  }
0x47: {  	_ =	shalt  }
0x48: {  	_ =	shalt  }
0x49: {  	_ =	shalt  }
0x4a: {  	_ =	shalt  }
0x4b: {  	_ =	shalt  }
0x4c: {  	_ =	shalt  }
0x4d: {  	_ =	shalt  }
0x4e: {  	_ =	shalt  }
0x4f: {  	_ =	shalt  }
0x50: {  	_ =	shalt  }
0x51: {  	_ =	shalt  }
0x52: {  	_ =	shalt  }
0x53: {  	_ =	shalt  }
0x54: {  	_ =	shalt  }
0x55: {  	_ =	shalt  }
0x56: {  	_ =	shalt  }
0x57: {  	_ =	shalt  }
0x58: {  	_ =	shalt  }
0x59: {  	_ =	shalt  }
0x5a: {  	_ =	shalt  }
0x5b: {  	_ =	shalt  }
0x5c: {  	_ =	shalt  }
0x5d: {  	_ =	shalt  }
0x5e: {  	_ =	shalt  }
0x5f: {  	_ =	shalt  }
0x60: {  	_ =	shalt  }
0x61: {  	_ =	shalt  }
0x62: {  	_ =	shalt  }
0x63: {  	_ =	shalt  }
0x64: {  	_ =	shalt  }
0x65: {  	_ =	shalt  }
0x66: {  	_ =	shalt  }
0x67: {  	_ =	shalt  }
0x68: {  	_ =	shalt  }
0x69: {  	_ =	shalt  }
0x6a: {  	_ =	shalt  }
0x6b: {  	_ =	shalt  }
0x6c: {  	_ =	shalt  }
0x6d: {  	_ =	shalt  }
0x6e: {  	_ =	shalt  }
0x6f: {  	_ =	shalt  }
0x70: {  	_ =	shalt  }
0x71: {  	_ =	shalt  }
0x72: {  	_ =	shalt  }
0x73: {  	_ =	shalt  }
0x74: {  	_ =	shalt  }
0x75: {  	_ =	shalt  }
0x76: {  	_ =	shalt  }
0x77: {  	_ =	shalt  }
0x78: {  	_ =	shalt  }
0x79: {  	_ =	shalt  }
0x7a: {  	_ =	shalt  }
0x7b: {  	_ =	shalt  }
0x7c: {  	_ =	shalt  }
0x7d: {  	_ =	shalt  }
0x7e: {  	_ =	shalt  }
0x7f: {  	_ =	shalt  }
0x80: {  	_ =	shalt  }
0x81: {  	_ =	shalt  }
0x82: {  	_ =	shalt  }
0x83: {  	_ =	shalt  }
0x84: {  	_ =	shalt  }
0x85: {  	_ =	shalt  }
0x86: {  	_ =	shalt  }
0x87: {  	_ =	shalt  }
.Lfunc_end0:
.L_simem_size_0:
called_computation.1_lowered:
.L_overlay_start_0:
0x88: {  	s2 =	sld [smem:$0x3FD9]  }
0x89: {  	s3 =	sld [smem:$0x3FFE];
	_ =	sdelay $0x1  }
0x8a: {  	s1 =	srdreg.scid  }
0x8b: {  	s0 =	sand.u32 $0x1, s1  }
0x8c: {  	s17 =	sshll.u32 s0, $0xA;
	s2 =	sadd.s32 s3, s2  }
0x8d: {  	s2 =	sadd.s32 s2, s17  }
0x8e: {  	[smem:$0x3FC0] =	sst s2  }
0x8f: {  	_ = 	snop  }
0x90: {  	s2 =	sld [smem:$0x3FD0];
	(tm) =	ssettm $0x1  }
0x91: {  	s18 =	sld [smem:$0x3FFB];
	_ =	sdelay $0x3  }
0x92: {  	_ =	strace s18  }
0x93: {  	s3 =	sld [smem:$0x3FFC];
	_ =	sdelay $0x3  }
0x94: {  	_ =	strace s3  }
0x95: {  	s3 =	sld [smem:$0x3FFD];
	_ =	sdelay $0x3  }
0x96: {  	_ =	strace s3  }
0x97: {  	_ =	strace $0x8FFFFFFF  }
0x98: {  	s19 =	sld [smem:$0x3FDB];
	_ =	sdelay $0x1  }
0x99: {  	s4 =	simm.s32 $_scs_section_size  }
0x9a: {  	s5 =	simm.s32 $_size__tile_overlayer_lowered;
	s6 =	simm.s32 $_tile_overlayer_lowered  }
0x9b: {  	s22 =	simm.s32 $0x1BFF;
	s21 =	sshll.u32 s6, $0x1;
	s3 =	sadd.s32 s4, s19  }
0x9c: {  	s7 =	simm.s32 $0x0;
	s20 =	sshll.u32 s5, $0x1;
	s5 =	sadd.s32 s21, s3  }
0x9d: {  	[timem:s7], [sflag:s22] =	dma.local [hbm:s5], s20  }
0x9e: {  	_ =	swait.ge [sflag:s22], s20  }
0x9f: {  	s4 =	ssub.s32 $0x0, s20;
	[sflag:s22] =	ssyncset.done $0x0  }
0xa0: {  	[sflag:s22] =	ssyncadd.s32 s4;
	_ =	sdelay $0x1  }
0xa1: {  	s23 =	simm.s32 $0x1B8B  }
0xa2: {  	_ =	swait.ge [sflag:s23], $0x1  }
0xa3: {  	[sflag:s23] =	ssyncset.done $0x0  }
0xa4: {  	s25 =	simm.s32 $0x1B8E;
	s24 =	sld [smem:$0x3FFE];
	[sflag:s23] =	ssyncadd.s32 $0xFFFFFFFF  }
0xa5: {  	s26 =	simm.s32 $execute0_lowered;
	[smem:$0x3FD2] =	sst s25  }
0xa6: {  	s5 =	sshll.u32 s26, $0x1;
	_ =	strace $0x80000049;
	[dreg:$0x1] =	wrdreg $0xFFFFFFFF  }
0xa7: {  	s28 =	simm.s32 $_size_execute0_lowered;
	s3 =	sadd.s32 s3, s5;
	[dreg:$0x0] =	wrdreg $0x0  }
0xa8: {  	s5 =	sshll.u32 s28, $0x1;
	[dreg:$0x2] =	wrdreg s3  }
0xa9: {  	[dreg:$0x3] =	wrdreg s5  }
0xaa: {  	[dreg:$0x4] =	wrdreg $0xC0  }
0xab: {  	_ =	task [dreg:s7], $0x5FFFF  }
0xac: {  	[dreg:$0x1] =	wrdreg $0xFFFFFFFF  }
0xad: {  	[dreg:$0x0] =	wrdreg $0x60  }
0xae: {  	[dreg:$0x2] =	wrdreg s24  }
0xaf: {  	[dreg:$0x3] =	wrdreg s2  }
0xb0: {  	[dreg:$0x4] =	wrdreg $0x90000  }
0xb1: {  	[dreg:$0x5] =	wrdreg $0x9  }
0xb2: {  	_ =	task.clear_ibuf [dreg:s7], $0x6FFFF;
	_ =	strace $0x90000049  }
0xb3: {  	s29 =	simm.s32 $0x9;
	_ =	strace $0x8000004B  }
0xb4: {  	_ =	swait.ge [sflag:s29], $0x1  }
0xb5: {  	[sflag:s29] =	ssyncadd.s32 $0xFFFFFFFF  }
0xb6: {  	_ =	strace $0x9000004B  }
0xb7: {  	_ =	sfence  }
0xb8: {  	s30 =	sld [smem:$0x0];
	_ =	sdelay $0x2  }
0xb9: {  	s31 =	sshll.u32 s1, $0xD;
	s1 =	sshrl.u32 s1, $0x2  }
0xba: {  	s3 =	sand.u32 $0x4000, s31;
	s1 =	sadd.s32 s1, s30  }
0xbb: {  	s0 =	sor.u32 s3, s0;
	s1 =	sshll.u32 s1, $0x11  }
0xbc: {  	s0 =	sor.u32 s1, s0  }
0xbd: {  	s0 =	sadd.s32 $0x8F2B, s0  }
0xbe: {  	[sflag:s0] =	ssyncadd.remote.s32 $0x1  }
0xbf: {  	_ =	sfence.sel $0xFFFF  }
0xc0: {  	[dreg:$0x0] =	wrdreg $0xFFFFFFFF;
	(pc) =	sbr.abs _section_cstart, $3  }
0xc1: {  	[dreg:$0x1] =	wrdreg $0xFFFFFFFF  }
0xc2: {  	_ =	task.clear_ibuf [dreg:s7], $0x2FFFF;
	_ =	strace $0x9FFFFFFF  }
0xc3: {  	(tm) =	ssettm $0x7FFFFFFF  }
tec
execute0_lowered:
.L_overlay_start_1:
0x0: {  	(tag) =	ssettag $0x1  }
0x1: {  	s5 =	rddreg [dreg:$0x0]  }
0x2: {  	s1 =	srdreg.scid;
	s7 =	rddreg [dreg:$0x1]  }
0x3: {  	s0 =	stileid.u32;
	s2 =	rddreg [dreg:$0x2]  }
0x4: {  	s3 =	simm.s32 $0x0;
	s15 =	simm.s32 $0x5000;
	s16 =	simm.s32 $0x1  }
0x5: {  	s17 =	simm.s32 $0x0;
	s6 =	sand.u32 $0x1, s1;
	s10 =	smul.u32 $0x14000, s0  }
0x6: {  	s26 =	sshll.u32 s0, $0x1;
	[smem:$0x7FF] =	sst s3;
	s12 =	smul.u32 $0x50000, s0  }
0x7: {  	s4 =	sadd.s32 $0x20400, s5;
	s13 =	sadd.s32 $0x48400, s5;
	s30 =	smul.u32 $0x2800, s0  }
0x8: {  	s31 =	sshll.u32 s0, $0x6;
	s1 =	sor.u32 s6, s26;
	s9 =	smul.u32 $0x140000, s6  }
0x9: {  	s28 =	ssub.s32 $0x2, s6;
	p0 =	seq.s32 s6, $0x0;
	s8 =	smul.u32 $0x500, s1  }
0xa: {  	s1 =	rddreg [dreg:$0x3];
	_ =	strace $0x8000004A;
	s14 =	sshrl.u32 s28, $0x1  }
0xb: {  	s29 =	sshrl.u32 s12, $0x2;
	s13 =	smov.u32 @p0 s4;
	s9 =	sadd.s32 s10, s9  }
0xc: {  	s10 =	ssub.s32 s28, s14;
	s12 =	sadd.s32 s29, s2;
	s9 =	sshrl.u32 s9, $0x3  }
0xd: {  	s14 =	simm.s32 $0x80;
	s11 =	sadd.s32 s8, s5;
	s9 =	sadd.s32 s9, s5  }
0xe: {  	s5 =	sadd.s32 s7, s8;
	s6 =	sadd.s32 $0x16400, s11;
	s8 =	smax.u32 s10, $0x1  }
0xf: {  	s10 =	sor.u32 $0x1C02, s31;
	s11 =	sshrl.u32 s12, $0x3;
	s12 =	simm.s32 $0x2  }
0x10: {  	s7 =	sadd.s32 $0x70400, s9;
	s9 =	sadd.s32 s13, s30;
	s13 =	simm.s32 $0x2800  }
.LBB2_1:
0x11: {  	[spmem:s11], [sflag:s10] =	dma.local [hbm:s9], $0x2800  }
0x12: {  	_ =	swait.ge [sflag:s12], $0x2800  }
0x13: {  	[sflag:s12] =	ssyncset.done $0x0  }
0x14: {  	[sflag:s12] =	ssyncadd.s32 $0xFFFFD800  }
0x15: {  	[tilespmem:s3], [sflag:$0x2] =	stream.linear.gather [hbm4b:s5+s3], $0x2780, $0x38;
	[tilespmem:$0x1D000] =	vst v63  }
0x16: {  	_ =	swait.ge [sflag:s12], $0x2780  }
0x17: {  	[sflag:s12] =	ssyncset.done $0x0  }
0x18: {  	[sflag:s12] =	ssyncadd.s32 $0xFFFFD880  }
0x19: {  	[tilespmem:s13], [sflag:$0x2] =	stream.linear.gather [hbm4b:s6+s3], $0x2780, $0x38;
	[tilespmem:$0x1D000] =	vst v63  }
0x1a: {  	_ =	swait.ge [sflag:s12], $0x2780  }
0x1b: {  	[sflag:s12] =	ssyncset.done $0x0  }
0x1c: {  	[sflag:s12] =	ssyncadd.s32 $0xFFFFD880  }
0x1d: {  	s18 =	simm.s32 $0x0;
	[bflag:$0x0] =	sbarrier.arrive $0xFFFF  }
0x1e: {  	[tilespmem:s15], [sflag:$0x1] =	stream.indirect.gather [hbm4b:s4+s14], $0x80, s18, s14, $0xb8;
	[tilespmem:$0x1D000] =	vst v63  }
0x1f: {  	_ =	swait.ge [sflag:s16], $0x4000  }
0x20: {  	[sflag:s16] =	ssyncset.done $0x0  }
0x21: {  	s31 =	simm.s32 $0x2800;
	[sflag:s16] =	ssyncadd.s32 $0xFFFFC000  }
0x22: {  	[spmem:s2] =	stream.indirect.scatter.add.f32 [tilespmem:s15], [sflag:$0x2], $0x80, s31, s14, $0xb8;
	[tilespmem:$0x1D000] =	vst v63  }
0x23: {  	_ =	swait.ge [sflag:s12], $0x4000  }
0x24: {  	s19 =	simm.s32 $0x400;
	s18 =	simm.s32 $0x200;
	[sflag:s12] =	ssyncset.done $0x0  }
.LBB2_2:
0x25: {  	s20 =	sshra.s32 s18, $0x2  }
0x26: {  	[sflag:s12] =	ssyncadd.s32 $0xFFFFC000;
	s18 =	smov.u32 s19;
	s21 =	sadd.s32 $0x200, s19  }
0x27: {  	[tilespmem:s15], [sflag:$0x1] =	stream.indirect.gather [hbm4b:s4+s14], $0x80, s20, s14, $0xb8;
	[tilespmem:$0x1D000] =	vst v63  }
0x28: {  	p0 =	sne.s32 s19, $0x9C00;
	_ =	swait.ge [sflag:s16], $0x4000  }
.Ltmp0:
0x29: {  	[sflag:s16] =	ssyncset.done $0x0;
	(pc) =	sbr.rel @p0 .LBB2_2-.Ltmp0, $4  }
0x2a: {  	s19 =	sadd.s32 $0x2800, s20;
	[sflag:s16] =	ssyncadd.s32 $0xFFFFC000  }
0x2b: {  	[spmem:s2] =	stream.indirect.scatter.add.f32 [tilespmem:s15], [sflag:$0x2], $0x80, s19, s14, $0xb8;
	[tilespmem:$0x1D000] =	vst v63  }
0x2c: {  	_ =	swait.ge [sflag:s12], $0x4000  }
0x2d: {  	s19 =	smov.u32 s21;
	[sflag:s12] =	ssyncset.done $0x0  }
0x2e: {  	s18 =	sshra.s32 s18, $0x2;
	[sflag:s12] =	ssyncadd.s32 $0xFFFFC000  }
0x2f: {  	[tilespmem:s15], [sflag:$0x1] =	stream.indirect.gather [hbm4b:s4+s14], $0x80, s18, s14, $0xb8;
	[tilespmem:$0x1D000] =	vst v63  }
0x30: {  	_ =	swait.ge [sflag:s16], $0x4000  }
0x31: {  	[sflag:s16] =	ssyncset.done $0x0  }
0x32: {  	s18 =	sadd.s32 $0x2800, s18;
	[sflag:s16] =	ssyncadd.s32 $0xFFFFC000  }
0x33: {  	[spmem:s2] =	stream.indirect.scatter.add.f32 [tilespmem:s15], [sflag:$0x2], $0x80, s18, s14, $0xb8;
	[tilespmem:$0x1D000] =	vst v63  }
0x34: {  	_ =	swait.ge [sflag:s12], $0x4000  }
0x35: {  	s17 =	sadd.s32 $0x1, s17;
	[sflag:s12] =	ssyncset.done $0x0  }
0x36: {  	p0 =	sne.s32 s17, s8;
	[sflag:s12] =	ssyncadd.s32 $0xFFFFC000  }
.Ltmp1:
0x37: {  	[bflag:$0x0] =	sbarrier.arrive $0xFFFF;
	(pc) =	sbr.rel @p0 .LBB2_1-.Ltmp1, $4  }
0x38: {  	[hbm:s7], [sflag:s10] =	dma.local [spmem:s11], $0x2800  }
0x39: {  	_ =	swait.ge [sflag:s12], $0x2800  }
0x3a: {  	[sflag:s12] =	ssyncset.done $0x0  }
0x3b: {  	[sflag:s12] =	ssyncadd.s32 $0xFFFFD800  }
0x3c: {  	_ =	sfence.sel $0x180000  }
0x3d: {  	[bflag:$0x0] =	sbarrier.arrive $0xFFFF  }
0x3e: {  	p0 =	sne.s32 s0, $0x0;
	_ =	strace $0x9000004A  }
0x3f: {  	s0 =	sadd.s32 @!p0 $0x100000, s1;
	[bflag:$0x2] =	sbarrier.arrive $0xFFFF  }
0x40: {  	[sflag:s0] =	ssyncadd.tile.s32 @!p0 $0x1;
	_ =	shalt  }
.Lfunc_end2:
_tile_overlayer_lowered:
.L_overlay_start_2:
0x41: {  	(tag) =	ssettag $0x2  }
0x42: {  	s0 =	rddreg [dreg:$0x0];
	s2 =	stileid.u32  }
0x43: {  	s1 =	rddreg [dreg:$0x1];
	p0 =	sne.s32 s2, $0x0  }
0x44: {  	s3 =	rddreg [dreg:$0x2];
	[bflag:$0x3] =	sbarrier.arrive $0xFFFF;
	s2 =	simm.s32 @!p0 $0x1C02  }
0x45: {  	[timem:s3], [sflag:s2] =	dma.local @!p0 [hbm:s0], s1  }
0x46: {  	s0 =	simm.s32 @!p0 $0x2  }
0x47: {  	_ =	swait.ge @!p0 [sflag:s0], s1  }
0x48: {  	s1 =	ssub.s32 @!p0 $0x0, s1;
	[sflag:s0] =	ssyncset.done @!p0 $0x0  }
0x49: {  	[sflag:s0] =	ssyncadd.s32 @!p0 s1  }
0x4a: {  	[bflag:$0x3] =	sbarrier.arrive $0xFFFF  }
0x4b: {  	_ =	shalt  }

// kernel: kernel.14.cloned.1.call-start
scs
__scs_entry_jumppad:
0x0: {  	(pc) =	sbr.rel $0x88, $3  }
0x1: {  	(tag) =	ssettag $0x0;
	lr =	simm.s32 $0x1  }
0x2: {  	[smem:$0x3F99] =	sst lr;
	_ =	strace $0xD0000000  }
0x3: {  	_ = 	snop  }
0x4: {  	_ = 	snop  }
0x5: {  	_ = 	snop  }
0x6: {  	_ = 	snop  }
0x7: {  	_ = 	snop  }
__scs_overlays_trampoline_lowered:
0x8: {  	[smem:$0x3FA8] =	sst s0  }
0x9: {  	[smem:$0x3FA9] =	sst s1  }
0xa: {  	[smem:$0x3FAA] =	sst s2  }
0xb: {  	[smem:$0x3FAB] =	sst s3  }
0xc: {  	[smem:$0x3FAC] =	sst s4  }
0xd: {  	[smem:$0x3FAD] =	sst s5  }
0xe: {  	[smem:$0x3FAE] =	sst s6  }
0xf: {  	[smem:$0x3FAF] =	sst s7  }
0x10: {  	[smem:$0x3FB0] =	sst s8  }
0x11: {  	[smem:$0x3FB1] =	sst s9;
	s0 =	simm.s32 @!p0 $0x0  }
0x12: {  	s1 =	sld [smem:$0x3F97];
	s0 =	simm.s32 @p0 $0x1  }
0x13: {  	[smem:$0x3FB2] =	sst s0;
	s0 =	simm.s32 @!p1 $0x0  }
0x14: {  	s2 =	sld [smem:$0x3F96];
	s0 =	simm.s32 @p1 $0x1  }
0x15: {  	[smem:$0x3FB3] =	sst s0;
	s0 =	simm.s32 @!p2 $0x0  }
0x16: {  	s3 =	sld [smem:$0x3FDB];
	s0 =	simm.s32 @p2 $0x1  }
0x17: {  	s4 =	simm.s32 $0x1BF5;
	[smem:$0x3FB5] =	sst s0  }
0x18: {  	s0 =	sld [smem:$0x3F98];
	_ =	swait.ge [sflag:s4], $0x0  }
0x19: {  	s7 =	sld [smem:$0x3F99]  }
0x1a: {  	s8 =	sadd.s32 $0xFFFFE003, lr  }
0x1b: {  	s9 =	sadd.s32 $0xFFFFFEF7, lr;
	s5 =	simm.s32 $0xFFFFFFFF;
	p2 =	slt.u32 s8, $0xFFFFF086  }
0x1c: {  	p1 =	slt.u32 s9, $0xF7A;
	s5 =	simm.s32 @!p2 $0x0  }
0x1d: {  	s5 =	simm.s32 @p1 $0x1;
	p0 =	seq.s32 s7, s2  }
0x1e: {  	s7 =	smul.u32 @!p0 $0xF7A, s2;
	p2 =	seq.s32 @!p0 s5, $0x0  }
0x1f: {  	s9 =	smul.u32 $0xF7A, s1;
	s8 =	simm.s32 @!p0 $0x1BF5;
	p2 =	por !p2, p0  }
0x20: {  	[sflag:s8] =	ssyncset.s32 @!p0 $0xFFFFF086;
	s6 =	sadd.s32 @!p0 s3, s7;
	s7 =	simm.s32 @!p0 $0x108  }
0x21: {  	s3 =	sadd.s32 s3, s9;
	s6 =	sadd.s32 @!p0 $0x88, s6;
	s7 =	simm.s32 @p2 $0x1082  }
0x22: {  	[simem:s7], [sflag:s8] =	dma.local @!p0 [hbm:s6], $0xF7A  }
0x23: {  	s9 =	sor.u32 $0xD0000000, s2;
	s6 =	simm.s32 $0x108;
	_ =	swait.ge @!p0 [sflag:s8], $0x0  }
0x24: {  	s3 =	sadd.s32 $0x88, s3;
	s6 =	simm.s32 @!p1 $0x1082;
	[sflag:s4] =	ssyncset.s32 $0xFFFFF086  }
0x25: {  	[simem:s6], [sflag:s4] =	dma.local [hbm:s3], $0xF7A  }
0x26: {  	[smem:$0x3F99] =	sst s1;
	(tag) =	ssettag s2;
	_ =	strace s9  }
0x27: {  	s1 =	sld [smem:$0x3FA9]  }
0x28: {  	s2 =	sld [smem:$0x3FAA]  }
0x29: {  	s4 =	sld [smem:$0x3FAC]  }
0x2a: {  	p0 =	seq.s32 s5, $0x0;
	s5 =	sld [smem:$0x3FAD]  }
0x2b: {  	s6 =	sld [smem:$0x3FAE]  }
0x2c: {  	s7 =	sld [smem:$0x3FAF]  }
0x2d: {  	s3 =	simm.s32 $0x108;
	s8 =	sld [smem:$0x3FB0]  }
0x2e: {  	s3 =	simm.s32 @!p0 $0x1082;
	s9 =	sld [smem:$0x3FB1]  }
0x2f: {  	lr =	sadd.s32 s0, s3;
	s0 =	sld [smem:$0x3FA8]  }
0x30: {  	s3 =	sld [smem:$0x3FAB]  }
0x31: {  	[smem:$0x3FB4] =	sst s10  }
0x32: {  	s10 =	sld [smem:$0x3FB2];
	_ =	sdelay $0x3  }
0x33: {  	p0 =	seq.s32 s10, $0x1;
	s10 =	sld [smem:$0x3FB4];
	_ =	sdelay $0x3  }
0x34: {  	[smem:$0x3FB4] =	sst s10  }
0x35: {  	s10 =	sld [smem:$0x3FB3];
	_ =	sdelay $0x3  }
0x36: {  	p1 =	seq.s32 s10, $0x1;
	s10 =	sld [smem:$0x3FB4];
	_ =	sdelay $0x3  }
0x37: {  	[smem:$0x3FB4] =	sst s10  }
0x38: {  	s10 =	sld [smem:$0x3FB5]  }
0x39: {  	_ = 	snop;
	(pc) =	sbr.ind lr, $3  }
0x3a: {  	_ = 	snop  }
0x3b: {  	_ = 	snop  }
0x3c: {  	p2 =	seq.s32 s10, $0x1;
	s10 =	sld [smem:$0x3FB4]  }
0x3d: {  	_ =	shalt  }
0x3e: {  	_ =	shalt  }
0x3f: {  	_ =	shalt  }
0x40: {  	_ =	shalt  }
0x41: {  	_ =	shalt  }
0x42: {  	_ =	shalt  }
0x43: {  	_ =	shalt  }
0x44: {  	_ =	shalt  }
0x45: {  	_ =	shalt  }
0x46: {  	_ =	shalt  }
0x47: {  	_ =	shalt  }
0x48: {  	_ =	shalt  }
0x49: {  	_ =	shalt  }
0x4a: {  	_ =	shalt  }
0x4b: {  	_ =	shalt  }
0x4c: {  	_ =	shalt  }
0x4d: {  	_ =	shalt  }
0x4e: {  	_ =	shalt  }
0x4f: {  	_ =	shalt  }
0x50: {  	_ =	shalt  }
0x51: {  	_ =	shalt  }
0x52: {  	_ =	shalt  }
0x53: {  	_ =	shalt  }
0x54: {  	_ =	shalt  }
0x55: {  	_ =	shalt  }
0x56: {  	_ =	shalt  }
0x57: {  	_ =	shalt  }
0x58: {  	_ =	shalt  }
0x59: {  	_ =	shalt  }
0x5a: {  	_ =	shalt  }
0x5b: {  	_ =	shalt  }
0x5c: {  	_ =	shalt  }
0x5d: {  	_ =	shalt  }
0x5e: {  	_ =	shalt  }
0x5f: {  	_ =	shalt  }
0x60: {  	_ =	shalt  }
0x61: {  	_ =	shalt  }
0x62: {  	_ =	shalt  }
0x63: {  	_ =	shalt  }
0x64: {  	_ =	shalt  }
0x65: {  	_ =	shalt  }
0x66: {  	_ =	shalt  }
0x67: {  	_ =	shalt  }
0x68: {  	_ =	shalt  }
0x69: {  	_ =	shalt  }
0x6a: {  	_ =	shalt  }
0x6b: {  	_ =	shalt  }
0x6c: {  	_ =	shalt  }
0x6d: {  	_ =	shalt  }
0x6e: {  	_ =	shalt  }
0x6f: {  	_ =	shalt  }
0x70: {  	_ =	shalt  }
0x71: {  	_ =	shalt  }
0x72: {  	_ =	shalt  }
0x73: {  	_ =	shalt  }
0x74: {  	_ =	shalt  }
0x75: {  	_ =	shalt  }
0x76: {  	_ =	shalt  }
0x77: {  	_ =	shalt  }
0x78: {  	_ =	shalt  }
0x79: {  	_ =	shalt  }
0x7a: {  	_ =	shalt  }
0x7b: {  	_ =	shalt  }
0x7c: {  	_ =	shalt  }
0x7d: {  	_ =	shalt  }
0x7e: {  	_ =	shalt  }
0x7f: {  	_ =	shalt  }
0x80: {  	_ =	shalt  }
0x81: {  	_ =	shalt  }
0x82: {  	_ =	shalt  }
0x83: {  	_ =	shalt  }
0x84: {  	_ =	shalt  }
0x85: {  	_ =	shalt  }
0x86: {  	_ =	shalt  }
0x87: {  	_ =	shalt  }
.Lfunc_end0:
.L_simem_size_0:
called_computation.2_lowered:
.L_overlay_start_0:
0x88: {  	s2 =	sld [smem:$0x3FD9]  }
0x89: {  	s3 =	sld [smem:$0x3FFE];
	_ =	sdelay $0x1  }
0x8a: {  	s1 =	srdreg.scid  }
0x8b: {  	s0 =	sand.u32 $0x1, s1  }
0x8c: {  	s17 =	sshll.u32 s0, $0xA;
	s2 =	sadd.s32 s3, s2  }
0x8d: {  	s2 =	sadd.s32 s2, s17  }
0x8e: {  	[smem:$0x3FC0] =	sst s2  }
0x8f: {  	_ = 	snop  }
0x90: {  	s2 =	sld [smem:$0x3FD0];
	(tm) =	ssettm $0x1  }
0x91: {  	s18 =	sld [smem:$0x3FFB];
	_ =	sdelay $0x3  }
0x92: {  	_ =	strace s18  }
0x93: {  	s3 =	sld [smem:$0x3FFC];
	_ =	sdelay $0x3  }
0x94: {  	_ =	strace s3  }
0x95: {  	s3 =	sld [smem:$0x3FFD];
	_ =	sdelay $0x3  }
0x96: {  	_ =	strace s3  }
0x97: {  	_ =	strace $0x8FFFFFFF  }
0x98: {  	s19 =	sld [smem:$0x3FDB];
	_ =	sdelay $0x1  }
0x99: {  	s4 =	simm.s32 $_scs_section_size  }
0x9a: {  	s5 =	simm.s32 $_size__tile_overlayer_lowered;
	s6 =	simm.s32 $_tile_overlayer_lowered  }
0x9b: {  	s22 =	simm.s32 $0x1BFF;
	s21 =	sshll.u32 s6, $0x1;
	s3 =	sadd.s32 s4, s19  }
0x9c: {  	s7 =	simm.s32 $0x0;
	s20 =	sshll.u32 s5, $0x1;
	s5 =	sadd.s32 s21, s3  }
0x9d: {  	[timem:s7], [sflag:s22] =	dma.local [hbm:s5], s20  }
0x9e: {  	_ =	swait.ge [sflag:s22], s20  }
0x9f: {  	s4 =	ssub.s32 $0x0, s20;
	[sflag:s22] =	ssyncset.done $0x0  }
0xa0: {  	[sflag:s22] =	ssyncadd.s32 s4;
	_ =	sdelay $0x1  }
0xa1: {  	s23 =	simm.s32 $0x1B8B  }
0xa2: {  	_ =	swait.ge [sflag:s23], $0x1  }
0xa3: {  	[sflag:s23] =	ssyncset.done $0x0  }
0xa4: {  	s25 =	simm.s32 $0x1B8E;
	s24 =	sld [smem:$0x3FFE];
	[sflag:s23] =	ssyncadd.s32 $0xFFFFFFFF  }
0xa5: {  	s26 =	simm.s32 $execute0_lowered;
	[smem:$0x3FD2] =	sst s25  }
0xa6: {  	s5 =	sshll.u32 s26, $0x1;
	_ =	strace $0x8000004C;
	[dreg:$0x1] =	wrdreg $0xFFFFFFFF  }
0xa7: {  	s28 =	simm.s32 $_size_execute0_lowered;
	s3 =	sadd.s32 s3, s5;
	[dreg:$0x0] =	wrdreg $0x0  }
0xa8: {  	s5 =	sshll.u32 s28, $0x1;
	[dreg:$0x2] =	wrdreg s3  }
0xa9: {  	[dreg:$0x3] =	wrdreg s5  }
0xaa: {  	[dreg:$0x4] =	wrdreg $0xC0  }
0xab: {  	_ =	task [dreg:s7], $0x5FFFF  }
0xac: {  	[dreg:$0x1] =	wrdreg $0xFFFFFFFF  }
0xad: {  	[dreg:$0x0] =	wrdreg $0x60  }
0xae: {  	[dreg:$0x2] =	wrdreg s24  }
0xaf: {  	[dreg:$0x3] =	wrdreg s2  }
0xb0: {  	[dreg:$0x4] =	wrdreg $0x90000  }
0xb1: {  	[dreg:$0x5] =	wrdreg $0x9  }
0xb2: {  	_ =	task.clear_ibuf [dreg:s7], $0x6FFFF;
	_ =	strace $0x9000004C  }
0xb3: {  	s29 =	simm.s32 $0x9;
	_ =	strace $0x8000004E  }
0xb4: {  	_ =	swait.ge [sflag:s29], $0x1  }
0xb5: {  	[sflag:s29] =	ssyncadd.s32 $0xFFFFFFFF  }
0xb6: {  	_ =	strace $0x9000004E  }
0xb7: {  	_ =	sfence  }
0xb8: {  	s30 =	sld [smem:$0x0];
	_ =	sdelay $0x2  }
0xb9: {  	s31 =	sshll.u32 s1, $0xD;
	s1 =	sshrl.u32 s1, $0x2  }
0xba: {  	s3 =	sand.u32 $0x4000, s31;
	s1 =	sadd.s32 s1, s30  }
0xbb: {  	s0 =	sor.u32 s3, s0;
	s1 =	sshll.u32 s1, $0x11  }
0xbc: {  	s0 =	sor.u32 s1, s0  }
0xbd: {  	s0 =	sadd.s32 $0x8F2B, s0  }
0xbe: {  	[sflag:s0] =	ssyncadd.remote.s32 $0x1  }
0xbf: {  	_ =	sfence.sel $0xFFFF  }
0xc0: {  	[dreg:$0x0] =	wrdreg $0xFFFFFFFF;
	(pc) =	sbr.abs _section_cstart, $3  }
0xc1: {  	[dreg:$0x1] =	wrdreg $0xFFFFFFFF  }
0xc2: {  	_ =	task.clear_ibuf [dreg:s7], $0x2FFFF;
	_ =	strace $0x9FFFFFFF  }
0xc3: {  	(tm) =	ssettm $0x7FFFFFFF  }
tec
execute0_lowered:
.L_overlay_start_1:
0x0: {  	(tag) =	ssettag $0x1  }
0x1: {  	s5 =	rddreg [dreg:$0x0]  }
0x2: {  	s1 =	srdreg.scid;
	s7 =	rddreg [dreg:$0x1]  }
0x3: {  	s0 =	stileid.u32;
	s2 =	rddreg [dreg:$0x2]  }
0x4: {  	s3 =	simm.s32 $0x0;
	s15 =	simm.s32 $0x5000;
	s16 =	simm.s32 $0x1  }
0x5: {  	s17 =	simm.s32 $0x0;
	s6 =	sand.u32 $0x1, s1;
	s10 =	smul.u32 $0x14000, s0  }
0x6: {  	s26 =	sshll.u32 s0, $0x1;
	[smem:$0x7FF] =	sst s3;
	s12 =	smul.u32 $0x50000, s0  }
0x7: {  	s4 =	sadd.s32 $0x20400, s5;
	s13 =	sadd.s32 $0x48400, s5;
	s30 =	smul.u32 $0x2800, s0  }
0x8: {  	s31 =	sshll.u32 s0, $0x6;
	s1 =	sor.u32 s6, s26;
	s9 =	smul.u32 $0x140000, s6  }
0x9: {  	s28 =	ssub.s32 $0x2, s6;
	p0 =	seq.s32 s6, $0x0;
	s8 =	smul.u32 $0x500, s1  }
0xa: {  	s1 =	rddreg [dreg:$0x3];
	_ =	strace $0x8000004D;
	s14 =	sshrl.u32 s28, $0x1  }
0xb: {  	s29 =	sshrl.u32 s12, $0x2;
	s13 =	smov.u32 @p0 s4;
	s9 =	sadd.s32 s10, s9  }
0xc: {  	s10 =	ssub.s32 s28, s14;
	s12 =	sadd.s32 s29, s2;
	s9 =	sshrl.u32 s9, $0x3  }
0xd: {  	s14 =	simm.s32 $0x80;
	s11 =	sadd.s32 s8, s5;
	s9 =	sadd.s32 s9, s5  }
0xe: {  	s5 =	sadd.s32 s7, s8;
	s6 =	sadd.s32 $0x16400, s11;
	s8 =	smax.u32 s10, $0x1  }
0xf: {  	s10 =	sor.u32 $0x1C02, s31;
	s11 =	sshrl.u32 s12, $0x3;
	s12 =	simm.s32 $0x2  }
0x10: {  	s7 =	sadd.s32 $0x70400, s9;
	s9 =	sadd.s32 s13, s30;
	s13 =	simm.s32 $0x2800  }
.LBB2_1:
0x11: {  	[spmem:s11], [sflag:s10] =	dma.local [hbm:s9], $0x2800  }
0x12: {  	_ =	swait.ge [sflag:s12], $0x2800  }
0x13: {  	[sflag:s12] =	ssyncset.done $0x0  }
0x14: {  	[sflag:s12] =	ssyncadd.s32 $0xFFFFD800  }
0x15: {  	[tilespmem:s3], [sflag:$0x2] =	stream.linear.gather [hbm4b:s5+s3], $0x2780, $0x38;
	[tilespmem:$0x1D000] =	vst v63  }
0x16: {  	_ =	swait.ge [sflag:s12], $0x2780  }
0x17: {  	[sflag:s12] =	ssyncset.done $0x0  }
0x18: {  	[sflag:s12] =	ssyncadd.s32 $0xFFFFD880  }
0x19: {  	[tilespmem:s13], [sflag:$0x2] =	stream.linear.gather [hbm4b:s6+s3], $0x2780, $0x38;
	[tilespmem:$0x1D000] =	vst v63  }
0x1a: {  	_ =	swait.ge [sflag:s12], $0x2780  }
0x1b: {  	[sflag:s12] =	ssyncset.done $0x0  }
0x1c: {  	[sflag:s12] =	ssyncadd.s32 $0xFFFFD880  }
0x1d: {  	s18 =	simm.s32 $0x0;
	[bflag:$0x0] =	sbarrier.arrive $0xFFFF  }
0x1e: {  	[tilespmem:s15], [sflag:$0x1] =	stream.indirect.gather [hbm4b:s4+s14], $0x80, s18, s14, $0xb8;
	[tilespmem:$0x1D000] =	vst v63  }
0x1f: {  	_ =	swait.ge [sflag:s16], $0x4000  }
0x20: {  	[sflag:s16] =	ssyncset.done $0x0  }
0x21: {  	s31 =	simm.s32 $0x2800;
	[sflag:s16] =	ssyncadd.s32 $0xFFFFC000  }
0x22: {  	[spmem:s2] =	stream.indirect.scatter.add.f32 [tilespmem:s15], [sflag:$0x2], $0x80, s31, s14, $0xb8;
	[tilespmem:$0x1D000] =	vst v63  }
0x23: {  	_ =	swait.ge [sflag:s12], $0x4000  }
0x24: {  	s19 =	simm.s32 $0x400;
	s18 =	simm.s32 $0x200;
	[sflag:s12] =	ssyncset.done $0x0  }
.LBB2_2:
0x25: {  	s20 =	sshra.s32 s18, $0x2  }
0x26: {  	[sflag:s12] =	ssyncadd.s32 $0xFFFFC000;
	s18 =	smov.u32 s19;
	s21 =	sadd.s32 $0x200, s19  }
0x27: {  	[tilespmem:s15], [sflag:$0x1] =	stream.indirect.gather [hbm4b:s4+s14], $0x80, s20, s14, $0xb8;
	[tilespmem:$0x1D000] =	vst v63  }
0x28: {  	p0 =	sne.s32 s19, $0x9C00;
	_ =	swait.ge [sflag:s16], $0x4000  }
.Ltmp0:
0x29: {  	[sflag:s16] =	ssyncset.done $0x0;
	(pc) =	sbr.rel @p0 .LBB2_2-.Ltmp0, $4  }
0x2a: {  	s19 =	sadd.s32 $0x2800, s20;
	[sflag:s16] =	ssyncadd.s32 $0xFFFFC000  }
0x2b: {  	[spmem:s2] =	stream.indirect.scatter.add.f32 [tilespmem:s15], [sflag:$0x2], $0x80, s19, s14, $0xb8;
	[tilespmem:$0x1D000] =	vst v63  }
0x2c: {  	_ =	swait.ge [sflag:s12], $0x4000  }
0x2d: {  	s19 =	smov.u32 s21;
	[sflag:s12] =	ssyncset.done $0x0  }
0x2e: {  	s18 =	sshra.s32 s18, $0x2;
	[sflag:s12] =	ssyncadd.s32 $0xFFFFC000  }
0x2f: {  	[tilespmem:s15], [sflag:$0x1] =	stream.indirect.gather [hbm4b:s4+s14], $0x80, s18, s14, $0xb8;
	[tilespmem:$0x1D000] =	vst v63  }
0x30: {  	_ =	swait.ge [sflag:s16], $0x4000  }
0x31: {  	[sflag:s16] =	ssyncset.done $0x0  }
0x32: {  	s18 =	sadd.s32 $0x2800, s18;
	[sflag:s16] =	ssyncadd.s32 $0xFFFFC000  }
0x33: {  	[spmem:s2] =	stream.indirect.scatter.add.f32 [tilespmem:s15], [sflag:$0x2], $0x80, s18, s14, $0xb8;
	[tilespmem:$0x1D000] =	vst v63  }
0x34: {  	_ =	swait.ge [sflag:s12], $0x4000  }
0x35: {  	s17 =	sadd.s32 $0x1, s17;
	[sflag:s12] =	ssyncset.done $0x0  }
0x36: {  	p0 =	sne.s32 s17, s8;
	[sflag:s12] =	ssyncadd.s32 $0xFFFFC000  }
.Ltmp1:
0x37: {  	[bflag:$0x0] =	sbarrier.arrive $0xFFFF;
	(pc) =	sbr.rel @p0 .LBB2_1-.Ltmp1, $4  }
0x38: {  	[hbm:s7], [sflag:s10] =	dma.local [spmem:s11], $0x2800  }
0x39: {  	_ =	swait.ge [sflag:s12], $0x2800  }
0x3a: {  	[sflag:s12] =	ssyncset.done $0x0  }
0x3b: {  	[sflag:s12] =	ssyncadd.s32 $0xFFFFD800  }
0x3c: {  	_ =	sfence.sel $0x180000  }
0x3d: {  	[bflag:$0x0] =	sbarrier.arrive $0xFFFF  }
0x3e: {  	p0 =	sne.s32 s0, $0x0;
	_ =	strace $0x9000004D  }
0x3f: {  	s0 =	sadd.s32 @!p0 $0x100000, s1;
	[bflag:$0x2] =	sbarrier.arrive $0xFFFF  }
0x40: {  	[sflag:s0] =	ssyncadd.tile.s32 @!p0 $0x1;
	_ =	shalt  }
.Lfunc_end2:
_tile_overlayer_lowered:
.L_overlay_start_2:
0x41: {  	(tag) =	ssettag $0x2  }
0x42: {  	s0 =	rddreg [dreg:$0x0];
	s2 =	stileid.u32  }
0x43: {  	s1 =	rddreg [dreg:$0x1];
	p0 =	sne.s32 s2, $0x0  }
0x44: {  	s3 =	rddreg [dreg:$0x2];
	[bflag:$0x3] =	sbarrier.arrive $0xFFFF;
	s2 =	simm.s32 @!p0 $0x1C02  }
0x45: {  	[timem:s3], [sflag:s2] =	dma.local @!p0 [hbm:s0], s1  }
0x46: {  	s0 =	simm.s32 @!p0 $0x2  }
0x47: {  	_ =	swait.ge @!p0 [sflag:s0], s1  }
0x48: {  	s1 =	ssub.s32 @!p0 $0x0, s1;
	[sflag:s0] =	ssyncset.done @!p0 $0x0  }
0x49: {  	[sflag:s0] =	ssyncadd.s32 @!p0 s1  }
0x4a: {  	[bflag:$0x3] =	sbarrier.arrive $0xFFFF  }
0x4b: {  	_ =	shalt  }

// kernel: kernel.8.cloned.1.call-start
scs
__scs_entry_jumppad:
0x0: {  	(pc) =	sbr.rel $0x88, $3  }
0x1: {  	(tag) =	ssettag $0x0;
	lr =	simm.s32 $0x1  }
0x2: {  	[smem:$0x3F99] =	sst lr;
	_ =	strace $0xD0000000  }
0x3: {  	_ = 	snop  }
0x4: {  	_ = 	snop  }
0x5: {  	_ = 	snop  }
0x6: {  	_ = 	snop  }
0x7: {  	_ = 	snop  }
__scs_overlays_trampoline_lowered:
0x8: {  	[smem:$0x3FA8] =	sst s0  }
0x9: {  	[smem:$0x3FA9] =	sst s1  }
0xa: {  	[smem:$0x3FAA] =	sst s2  }
0xb: {  	[smem:$0x3FAB] =	sst s3  }
0xc: {  	[smem:$0x3FAC] =	sst s4  }
0xd: {  	[smem:$0x3FAD] =	sst s5  }
0xe: {  	[smem:$0x3FAE] =	sst s6  }
0xf: {  	[smem:$0x3FAF] =	sst s7  }
0x10: {  	[smem:$0x3FB0] =	sst s8  }
0x11: {  	[smem:$0x3FB1] =	sst s9;
	s0 =	simm.s32 @!p0 $0x0  }
0x12: {  	s1 =	sld [smem:$0x3F97];
	s0 =	simm.s32 @p0 $0x1  }
0x13: {  	[smem:$0x3FB2] =	sst s0;
	s0 =	simm.s32 @!p1 $0x0  }
0x14: {  	s2 =	sld [smem:$0x3F96];
	s0 =	simm.s32 @p1 $0x1  }
0x15: {  	[smem:$0x3FB3] =	sst s0;
	s0 =	simm.s32 @!p2 $0x0  }
0x16: {  	s3 =	sld [smem:$0x3FDB];
	s0 =	simm.s32 @p2 $0x1  }
0x17: {  	s4 =	simm.s32 $0x1BF5;
	[smem:$0x3FB5] =	sst s0  }
0x18: {  	s0 =	sld [smem:$0x3F98];
	_ =	swait.ge [sflag:s4], $0x0  }
0x19: {  	s7 =	sld [smem:$0x3F99]  }
0x1a: {  	s8 =	sadd.s32 $0xFFFFE003, lr  }
0x1b: {  	s9 =	sadd.s32 $0xFFFFFEF7, lr;
	s5 =	simm.s32 $0xFFFFFFFF;
	p2 =	slt.u32 s8, $0xFFFFF086  }
0x1c: {  	p1 =	slt.u32 s9, $0xF7A;
	s5 =	simm.s32 @!p2 $0x0  }
0x1d: {  	s5 =	simm.s32 @p1 $0x1;
	p0 =	seq.s32 s7, s2  }
0x1e: {  	s7 =	smul.u32 @!p0 $0xF7A, s2;
	p2 =	seq.s32 @!p0 s5, $0x0  }
0x1f: {  	s9 =	smul.u32 $0xF7A, s1;
	s8 =	simm.s32 @!p0 $0x1BF5;
	p2 =	por !p2, p0  }
0x20: {  	[sflag:s8] =	ssyncset.s32 @!p0 $0xFFFFF086;
	s6 =	sadd.s32 @!p0 s3, s7;
	s7 =	simm.s32 @!p0 $0x108  }
0x21: {  	s3 =	sadd.s32 s3, s9;
	s6 =	sadd.s32 @!p0 $0x88, s6;
	s7 =	simm.s32 @p2 $0x1082  }
0x22: {  	[simem:s7], [sflag:s8] =	dma.local @!p0 [hbm:s6], $0xF7A  }
0x23: {  	s9 =	sor.u32 $0xD0000000, s2;
	s6 =	simm.s32 $0x108;
	_ =	swait.ge @!p0 [sflag:s8], $0x0  }
0x24: {  	s3 =	sadd.s32 $0x88, s3;
	s6 =	simm.s32 @!p1 $0x1082;
	[sflag:s4] =	ssyncset.s32 $0xFFFFF086  }
0x25: {  	[simem:s6], [sflag:s4] =	dma.local [hbm:s3], $0xF7A  }
0x26: {  	[smem:$0x3F99] =	sst s1;
	(tag) =	ssettag s2;
	_ =	strace s9  }
0x27: {  	s1 =	sld [smem:$0x3FA9]  }
0x28: {  	s2 =	sld [smem:$0x3FAA]  }
0x29: {  	s4 =	sld [smem:$0x3FAC]  }
0x2a: {  	p0 =	seq.s32 s5, $0x0;
	s5 =	sld [smem:$0x3FAD]  }
0x2b: {  	s6 =	sld [smem:$0x3FAE]  }
0x2c: {  	s7 =	sld [smem:$0x3FAF]  }
0x2d: {  	s3 =	simm.s32 $0x108;
	s8 =	sld [smem:$0x3FB0]  }
0x2e: {  	s3 =	simm.s32 @!p0 $0x1082;
	s9 =	sld [smem:$0x3FB1]  }
0x2f: {  	lr =	sadd.s32 s0, s3;
	s0 =	sld [smem:$0x3FA8]  }
0x30: {  	s3 =	sld [smem:$0x3FAB]  }
0x31: {  	[smem:$0x3FB4] =	sst s10  }
0x32: {  	s10 =	sld [smem:$0x3FB2];
	_ =	sdelay $0x3  }
0x33: {  	p0 =	seq.s32 s10, $0x1;
	s10 =	sld [smem:$0x3FB4];
	_ =	sdelay $0x3  }
0x34: {  	[smem:$0x3FB4] =	sst s10  }
0x35: {  	s10 =	sld [smem:$0x3FB3];
	_ =	sdelay $0x3  }
0x36: {  	p1 =	seq.s32 s10, $0x1;
	s10 =	sld [smem:$0x3FB4];
	_ =	sdelay $0x3  }
0x37: {  	[smem:$0x3FB4] =	sst s10  }
0x38: {  	s10 =	sld [smem:$0x3FB5]  }
0x39: {  	_ = 	snop;
	(pc) =	sbr.ind lr, $3  }
0x3a: {  	_ = 	snop  }
0x3b: {  	_ = 	snop  }
0x3c: {  	p2 =	seq.s32 s10, $0x1;
	s10 =	sld [smem:$0x3FB4]  }
0x3d: {  	_ =	shalt  }
0x3e: {  	_ =	shalt  }
0x3f: {  	_ =	shalt  }
0x40: {  	_ =	shalt  }
0x41: {  	_ =	shalt  }
0x42: {  	_ =	shalt  }
0x43: {  	_ =	shalt  }
0x44: {  	_ =	shalt  }
0x45: {  	_ =	shalt  }
0x46: {  	_ =	shalt  }
0x47: {  	_ =	shalt  }
0x48: {  	_ =	shalt  }
0x49: {  	_ =	shalt  }
0x4a: {  	_ =	shalt  }
0x4b: {  	_ =	shalt  }
0x4c: {  	_ =	shalt  }
0x4d: {  	_ =	shalt  }
0x4e: {  	_ =	shalt  }
0x4f: {  	_ =	shalt  }
0x50: {  	_ =	shalt  }
0x51: {  	_ =	shalt  }
0x52: {  	_ =	shalt  }
0x53: {  	_ =	shalt  }
0x54: {  	_ =	shalt  }
0x55: {  	_ =	shalt  }
0x56: {  	_ =	shalt  }
0x57: {  	_ =	shalt  }
0x58: {  	_ =	shalt  }
0x59: {  	_ =	shalt  }
0x5a: {  	_ =	shalt  }
0x5b: {  	_ =	shalt  }
0x5c: {  	_ =	shalt  }
0x5d: {  	_ =	shalt  }
0x5e: {  	_ =	shalt  }
0x5f: {  	_ =	shalt  }
0x60: {  	_ =	shalt  }
0x61: {  	_ =	shalt  }
0x62: {  	_ =	shalt  }
0x63: {  	_ =	shalt  }
0x64: {  	_ =	shalt  }
0x65: {  	_ =	shalt  }
0x66: {  	_ =	shalt  }
0x67: {  	_ =	shalt  }
0x68: {  	_ =	shalt  }
0x69: {  	_ =	shalt  }
0x6a: {  	_ =	shalt  }
0x6b: {  	_ =	shalt  }
0x6c: {  	_ =	shalt  }
0x6d: {  	_ =	shalt  }
0x6e: {  	_ =	shalt  }
0x6f: {  	_ =	shalt  }
0x70: {  	_ =	shalt  }
0x71: {  	_ =	shalt  }
0x72: {  	_ =	shalt  }
0x73: {  	_ =	shalt  }
0x74: {  	_ =	shalt  }
0x75: {  	_ =	shalt  }
0x76: {  	_ =	shalt  }
0x77: {  	_ =	shalt  }
0x78: {  	_ =	shalt  }
0x79: {  	_ =	shalt  }
0x7a: {  	_ =	shalt  }
0x7b: {  	_ =	shalt  }
0x7c: {  	_ =	shalt  }
0x7d: {  	_ =	shalt  }
0x7e: {  	_ =	shalt  }
0x7f: {  	_ =	shalt  }
0x80: {  	_ =	shalt  }
0x81: {  	_ =	shalt  }
0x82: {  	_ =	shalt  }
0x83: {  	_ =	shalt  }
0x84: {  	_ =	shalt  }
0x85: {  	_ =	shalt  }
0x86: {  	_ =	shalt  }
0x87: {  	_ =	shalt  }
.Lfunc_end0:
.L_simem_size_0:
called_computation_lowered:
.L_overlay_start_0:
0x88: {  	s2 =	sld [smem:$0x3FD9]  }
0x89: {  	s3 =	sld [smem:$0x3FFE];
	_ =	sdelay $0x1  }
0x8a: {  	s1 =	srdreg.scid  }
0x8b: {  	s0 =	sand.u32 $0x1, s1  }
0x8c: {  	s16 =	sshll.u32 s0, $0xA;
	s2 =	sadd.s32 s3, s2  }
0x8d: {  	s2 =	sadd.s32 s2, s16  }
0x8e: {  	[smem:$0x3FC0] =	sst s2  }
0x8f: {  	_ = 	snop  }
0x90: {  	(tm) =	ssettm $0x1  }
0x91: {  	s17 =	sld [smem:$0x3FFB];
	_ =	sdelay $0x3  }
0x92: {  	_ =	strace s17  }
0x93: {  	s2 =	sld [smem:$0x3FFC];
	_ =	sdelay $0x3  }
0x94: {  	_ =	strace s2  }
0x95: {  	s2 =	sld [smem:$0x3FFD];
	_ =	sdelay $0x3  }
0x96: {  	_ =	strace s2  }
0x97: {  	_ =	strace $0x8FFFFFFF  }
0x98: {  	s18 =	sld [smem:$0x3FDB];
	_ =	sdelay $0x1  }
0x99: {  	s19 =	simm.s32 $_scs_section_size  }
0x9a: {  	s4 =	simm.s32 $_size__tile_overlayer_lowered;
	s5 =	simm.s32 $_tile_overlayer_lowered  }
0x9b: {  	s22 =	simm.s32 $0x1BFF;
	s21 =	sshll.u32 s5, $0x1;
	s2 =	sadd.s32 s19, s18  }
0x9c: {  	s6 =	simm.s32 $0x0;
	s20 =	sshll.u32 s4, $0x1;
	s4 =	sadd.s32 s21, s2  }
0x9d: {  	[timem:s6], [sflag:s22] =	dma.local [hbm:s4], s20  }
0x9e: {  	_ =	swait.ge [sflag:s22], s20  }
0x9f: {  	s3 =	ssub.s32 $0x0, s20;
	[sflag:s22] =	ssyncset.done $0x0  }
0xa0: {  	[sflag:s22] =	ssyncadd.s32 s3;
	_ =	sdelay $0x1  }
0xa1: {  	s23 =	simm.s32 $0x1B8B  }
0xa2: {  	_ =	swait.ge [sflag:s23], $0x1  }
0xa3: {  	[sflag:s23] =	ssyncset.done $0x0  }
0xa4: {  	s25 =	simm.s32 $0x1B8E;
	s24 =	sld [smem:$0x3FFE];
	[sflag:s23] =	ssyncadd.s32 $0xFFFFFFFF  }
0xa5: {  	s26 =	simm.s32 $execute0_lowered;
	[smem:$0x3FD2] =	sst s25  }
0xa6: {  	s4 =	sshll.u32 s26, $0x1;
	_ =	strace $0x80000046;
	[dreg:$0x1] =	wrdreg $0xFFFFFFFF  }
0xa7: {  	s28 =	simm.s32 $_size_execute0_lowered;
	s2 =	sadd.s32 s2, s4;
	[dreg:$0x0] =	wrdreg $0x0  }
0xa8: {  	s4 =	sshll.u32 s28, $0x1;
	[dreg:$0x2] =	wrdreg s2  }
0xa9: {  	[dreg:$0x3] =	wrdreg s4  }
0xaa: {  	[dreg:$0x4] =	wrdreg $0xC0  }
0xab: {  	_ =	task [dreg:s6], $0x5FFFF  }
0xac: {  	[dreg:$0x1] =	wrdreg $0xFFFFFFFF  }
0xad: {  	[dreg:$0x0] =	wrdreg $0x60  }
0xae: {  	[dreg:$0x2] =	wrdreg s24  }
0xaf: {  	[dreg:$0x3] =	wrdreg $0x9  }
0xb0: {  	_ =	task.clear_ibuf [dreg:s6], $0x4FFFF;
	_ =	strace $0x90000046  }
0xb1: {  	s29 =	simm.s32 $0x9;
	_ =	strace $0x80000048  }
0xb2: {  	_ =	swait.ge [sflag:s29], $0x1  }
0xb3: {  	[sflag:s29] =	ssyncadd.s32 $0xFFFFFFFF  }
0xb4: {  	_ =	strace $0x90000048  }
0xb5: {  	_ =	sfence  }
0xb6: {  	s30 =	sld [smem:$0x0];
	_ =	sdelay $0x2  }
0xb7: {  	s31 =	sshll.u32 s1, $0xD;
	s1 =	sshrl.u32 s1, $0x2  }
0xb8: {  	s3 =	sand.u32 $0x4000, s31;
	s1 =	sadd.s32 s1, s30  }
0xb9: {  	s0 =	sor.u32 s3, s0;
	s1 =	sshll.u32 s1, $0x11  }
0xba: {  	s0 =	sor.u32 s1, s0  }
0xbb: {  	s0 =	sadd.s32 $0x8F2B, s0  }
0xbc: {  	[sflag:s0] =	ssyncadd.remote.s32 $0x1  }
0xbd: {  	_ =	sfence.sel $0xFFFF  }
0xbe: {  	[dreg:$0x0] =	wrdreg $0xFFFFFFFF;
	(pc) =	sbr.abs _section_cstart, $3  }
0xbf: {  	[dreg:$0x1] =	wrdreg $0xFFFFFFFF  }
0xc0: {  	_ =	task.clear_ibuf [dreg:s6], $0x2FFFF;
	_ =	strace $0x9FFFFFFF  }
0xc1: {  	(tm) =	ssettm $0x7FFFFFFF  }
tec
execute0_lowered:
.L_overlay_start_1:
0x0: {  	(tag) =	ssettag $0x1  }
0x1: {  	s1 =	srdreg.scid  }
0x2: {  	s0 =	stileid.u32;
	s5 =	rddreg [dreg:$0x0]  }
0x3: {  	s2 =	simm.s32 $0x0;
	s8 =	simm.s32 $0x80;
	s9 =	simm.s32 $0x400  }
0x4: {  	s10 =	simm.s32 $0x0;
	s3 =	sand.u32 $0x1, s1;
	s29 =	sshll.u32 s0, $0x1  }
0x5: {  	s30 =	sshrl.u32 s0, $0x2;
	s1 =	rddreg [dreg:$0x1];
	s4 =	sor.u32 s3, s29  }
0x6: {  	[smem:$0x7FF] =	sst s2;
	s6 =	smul.u32 $0x14000, s30;
	s7 =	sshll.u32 s4, $0x7  }
0x7: {  	s3 =	ssub.s32 $0x2, s3;
	s4 =	smul.u32 $0x4F0, s4;
	s7 =	sand.u32 $0x380, s7  }
0x8: {  	_ =	strace $0x80000047;
	s31 =	sshrl.u32 s3, $0x1;
	s6 =	sor.u32 s6, s7  }
0x9: {  	s4 =	sadd.s32 s4, s5;
	s7 =	simm.s32 $0x2780;
	s6 =	sshrl.u32 s6, $0x3  }
0xa: {  	s5 =	sadd.s32 s6, s5;
	s6 =	ssub.s32 s3, s31;
	s3 =	sadd.s32 $0x2600, s4  }
0xb: {  	v0 =	vimm.f32 $0.0e+00;
	v1 =	vimm.f32 $1.000000000e+00;
	s4 =	sadd.s32 $0xC400, s5;
	s5 =	smax.u32 s6, $0x1;
	s6 =	simm.s32 $0x1  }
.LBB2_1:
0xc: {  	[tilespmem:s2], [sflag:$0x1] =	stream.linear.gather [hbm4b:s3+s2], $0x2780, $0x38;
	[tilespmem:$0x4F80] =	vst v63  }
0xd: {  	_ =	swait.ge [sflag:s6], $0x2780  }
0xe: {  	[sflag:s6] =	ssyncset.done $0x0  }
0xf: {  	s11 =	simm.s32 $0x0;
	[sflag:s6] =	ssyncadd.s32 $0xFFFFD880  }
.LBB2_2:
0x10: {  	p0 =	sne.s32 s11, $0x9FC0  }
.Ltmp0:
0x11: {  	_ = 	snop;
	(pc) =	sbr.rel @p0 .LBB2_2-.Ltmp0, $3  }
0x12: {  	_ =	sdelay $0x1  }
0x13: {  	s12 =	sshra.s32 s11, $0x2  }
0x14: {  	s11 =	sadd.s32 $0x40, s11;
	[tilespmem:s12+$0x2780] =	vst v0  }
0x15: {  	s12 =	simm.s32 $0x0;
	s11 =	simm.s32 $0x40  }
.LBB2_4:
0x16: {  	p0 =	sne.s32 s11, $0x9DC0;
	v2 =	vld [tilespmem:s12+$0x0];
	_ =	sdelay $0x3  }
.Ltmp1:
0x17: {  	(pc) =	sbr.rel @p0 .LBB2_4-.Ltmp1, $2  }
0x18: {  	_ =	sdelay $0x2  }
0x19: {  	s12 =	sshra.s32 s11, $0x2;
	s11 =	sadd.s32 $0x40, s11;
	[tilespmem:v2+s7+$0x0] =	vst.idx.add.f32.msk $0xffff, v1  }
0x1a: {  	v2 =	vld [tilespmem:s12+$0x0];
	_ =	sdelay $0x5  }
0x1b: {  	s10 =	sadd.s32 $0x1, s10  }
0x1c: {  	p0 =	sne.s32 s10, s5  }
.Ltmp2:
0x1d: {  	[tilespmem:v2+s7+$0x0] =	vst.idx.add.f32.msk $0xffff, v1;
	(pc) =	sbr.rel @p0 .LBB2_1-.Ltmp2, $4  }
0x1e: {  	[hbm4b:s4+s8] =	stream.strided.scatter [tilespmem:s7], [sflag:$0x1], $0x2800, s9, s8, $0x38;
	[tilespmem:$0x4F80] =	vst v63  }
0x1f: {  	_ =	swait.ge [sflag:s6], $0x2800  }
0x20: {  	[sflag:s6] =	ssyncset.done $0x0  }
0x21: {  	[sflag:s6] =	ssyncadd.s32 $0xFFFFD800  }
0x22: {  	_ =	sfence.sel $0x180000  }
0x23: {  	[bflag:$0x0] =	sbarrier.arrive $0xFFFF  }
0x24: {  	p0 =	sne.s32 s0, $0x0;
	_ =	strace $0x90000047  }
0x25: {  	s0 =	sadd.s32 @!p0 $0x100000, s1;
	[bflag:$0x2] =	sbarrier.arrive $0xFFFF  }
0x26: {  	[sflag:s0] =	ssyncadd.tile.s32 @!p0 $0x1;
	_ =	shalt  }
.Lfunc_end2:
_tile_overlayer_lowered:
.L_overlay_start_2:
0x27: {  	(tag) =	ssettag $0x2  }
0x28: {  	s0 =	rddreg [dreg:$0x0];
	s2 =	stileid.u32  }
0x29: {  	s1 =	rddreg [dreg:$0x1];
	p0 =	sne.s32 s2, $0x0  }
0x2a: {  	s3 =	rddreg [dreg:$0x2];
	[bflag:$0x3] =	sbarrier.arrive $0xFFFF;
	s2 =	simm.s32 @!p0 $0x1C01  }
0x2b: {  	[timem:s3], [sflag:s2] =	dma.local @!p0 [hbm:s0], s1  }
0x2c: {  	s0 =	simm.s32 @!p0 $0x1  }
0x2d: {  	_ =	swait.ge @!p0 [sflag:s0], s1  }
0x2e: {  	s1 =	ssub.s32 @!p0 $0x0, s1;
	[sflag:s0] =	ssyncset.done @!p0 $0x0  }
0x2f: {  	[sflag:s0] =	ssyncadd.s32 @!p0 s1  }
0x30: {  	[bflag:$0x3] =	sbarrier.arrive $0xFFFF  }
0x31: {  	_ =	shalt  }

</sc_bundles>
